<compile_context>
chip_gen: v7x
topology: tpu7x:2x2x1
jax: 0.10.2.dev20260603
libtpu: 0.0.44.dev20260713+nightly
codegen_flags: <defaults>
</compile_context>

<pallas_src>
import jax
import jax.numpy as jnp
from jax import lax
from jax.experimental import pallas as pl
from jax.experimental.pallas import tpu as pltpu
from jax.experimental.pallas import tpu_sc as plsc

_BBOX_NUM = 300
_NMS_THRESHOLD = 0.5
_N = 20000
_N_PAD = 20480
_B = 8
_PARTS = 4
_SHARD = _N_PAD // _PARTS
_CHUNKS = _SHARD // 16
_NEG = float("-inf")
_BIGPOS = 2 ** 30


def _f2i(x):
    return lax.bitcast_convert_type(x, jnp.int32)


def _i2f(x):
    return lax.bitcast_convert_type(x, jnp.float32)


def _rep(ref, idx):
    if not (hasattr(idx, "shape") and idx.shape == (16,)):
        idx = jnp.full((16,), idx, jnp.int32)
    return plsc.load_gather(ref, [idx])


_L15 = None


def _bcast_last(v):
    idx = jnp.full((16,), 15, jnp.int32)
    return v.at[idx].get(mode="promise_in_bounds")


def _sc_body(score_hbm, y1_hbm, x1_hbm, y2_hbm, x2_hbm, out_hbm,
             score_v, y1_v, x1_v, y2_v, x2_v, area_v,
             stage_v, cand_v, out_v, shared):
    c = lax.axis_index("c")
    s = lax.axis_index("s")
    row = c * (16 // _PARTS) + s // _PARTS
    part = s % _PARTS
    base = part * _SHARD

    pltpu.sync_copy(score_hbm.at[row, pl.ds(base, _SHARD)], score_v)
    pltpu.sync_copy(y1_hbm.at[row, pl.ds(base, _SHARD)], y1_v)
    pltpu.sync_copy(x1_hbm.at[row, pl.ds(base, _SHARD)], x1_v)
    pltpu.sync_copy(y2_hbm.at[row, pl.ds(base, _SHARD)], y2_v)
    pltpu.sync_copy(x2_hbm.at[row, pl.ds(base, _SHARD)], x2_v)

    lane = lax.iota(jnp.int32, 16)

    def area_body(j, _):
        off = j * 16
        h = jnp.maximum(y2_v[pl.ds(off, 16)] - y1_v[pl.ds(off, 16)], 0.0)
        w = jnp.maximum(x2_v[pl.ds(off, 16)] - x1_v[pl.ds(off, 16)], 0.0)
        area_v[pl.ds(off, 16)] = h * w
        return 0

    lax.fori_loop(0, _CHUNKS, area_body, 0)

    def iter_body(k, carry):
        wy1, wx1, wy2, wx2, wgpos = carry
        warea = jnp.maximum(wy2 - wy1, 0.0) * jnp.maximum(wx2 - wx1, 0.0)

        def chunk_body(j, mc):
            maxvec, posvec = mc
            off = j * 16
            sc = score_v[pl.ds(off, 16)]
            cy1 = y1_v[pl.ds(off, 16)]
            cx1 = x1_v[pl.ds(off, 16)]
            cy2 = y2_v[pl.ds(off, 16)]
            cx2 = x2_v[pl.ds(off, 16)]
            ar = area_v[pl.ds(off, 16)]
            yy1 = jnp.maximum(wy1, cy1)
            xx1 = jnp.maximum(wx1, cx1)
            yy2 = jnp.minimum(wy2, cy2)
            xx2 = jnp.minimum(wx2, cx2)
            inter = jnp.maximum(yy2 - yy1, 0.0) * jnp.maximum(xx2 - xx1, 0.0)
            union = warea + ar - inter
            over = (inter - 0.5 * union) > union * jnp.float32(2.0 ** -26)
            pos = lane + (base + off)
            sup = ((union > 0.0) & over) | (pos == wgpos)
            nsc = jnp.where(sup, _NEG, sc)
            score_v[pl.ds(off, 16)] = nsc
            upd = nsc > maxvec
            return (jnp.where(upd, nsc, maxvec), jnp.where(upd, pos, posvec))

        maxvec0 = jnp.full((16,), _NEG, jnp.float32)
        posvec0 = jnp.full((16,), base, jnp.int32)
        maxvec, posvec = lax.fori_loop(0, _CHUNKS, chunk_body,
                                       (maxvec0, posvec0), unroll=4)
        lmv = _bcast_last(plsc.cummax(maxvec))
        posm = jnp.where(maxvec == lmv, posvec, _BIGPOS)
        lpv = -_bcast_last(plsc.cummax(-posm))
        liv = lpv - base
        stage = jnp.where(lane == 0, _f2i(lmv), lpv)
        stage = jnp.where(lane == 2, _f2i(_rep(y1_v, liv)), stage)
        stage = jnp.where(lane == 3, _f2i(_rep(x1_v, liv)), stage)
        stage = jnp.where(lane == 4, _f2i(_rep(y2_v, liv)), stage)
        stage = jnp.where(lane == 5, _f2i(_rep(x2_v, liv)), stage)
        stage = jnp.where(lane == 1, lpv, stage)
        stage_v[...] = stage

        pltpu.sync_copy(stage_v, shared.at[0, pl.ds(s * 16, 16)])
        plsc.subcore_barrier()
        g0 = (s // _PARTS) * _PARTS
        pltpu.sync_copy(shared.at[0, pl.ds(g0 * 16, _PARTS * 16)], cand_v)
        plsc.subcore_barrier()

        idx0 = jnp.full((16,), 0, jnp.int32)
        idx1 = jnp.full((16,), 1, jnp.int32)

        def _fld(vec, idx):
            return vec.at[idx].get(mode="promise_in_bounds")

        best = cand_v[pl.ds(0, 16)]
        bm = _i2f(_fld(best, idx0))
        bp = _fld(best, idx1)
        for j in range(1, _PARTS):
            cj = cand_v[pl.ds(j * 16, 16)]
            cm = _i2f(_fld(cj, idx0))
            cp = _fld(cj, idx1)
            better = (cm > bm) | ((cm == bm) & (cp < bp))
            bm = jnp.where(better, cm, bm)
            bp = jnp.where(better, cp, bp)
            best = jnp.where(better, cj, best)
        def _field(i):
            idx = jnp.full((16,), i, jnp.int32)
            return best.at[idx].get(mode="promise_in_bounds")

        valid = _i2f(_field(0)) > _NEG
        wgposn = _field(1)
        wy1n = _i2f(_field(2))
        wx1n = _i2f(_field(3))
        wy2n = _i2f(_field(4))
        wx2n = _i2f(_field(5))

        @pl.when(part == 0)
        def _():
            cidx = jnp.minimum(lane + 2, 15)
            coords = _i2f(best.at[cidx].get(mode="promise_in_bounds"))
            vals = jnp.where(valid, coords, -1.0)
            plsc.store_scatter(out_v, [4 * k + lane], vals, mask=lane < 4)

        return (wy1n, wx1n, wy2n, wx2n, wgposn)

    z = jnp.zeros((16,), jnp.float32)
    init = (z, z, z, z, jnp.full((16,), -1, jnp.int32))
    lax.fori_loop(0, _BBOX_NUM, iter_body, init)

    @pl.when(part == 0)
    def _():
        pltpu.sync_copy(out_v, out_hbm.at[row])


@jax.jit
def _nms_sc(scores, y1, x1, y2, x2):
    mesh = plsc.VectorSubcoreMesh(core_axis_name="c", subcore_axis_name="s")
    return pl.kernel(
        _sc_body,
        out_type=jax.ShapeDtypeStruct((_B, _BBOX_NUM * 4), jnp.float32),
        mesh=mesh,
        compiler_params=pltpu.CompilerParams(needs_layout_passes=False),
        scratch_types=[
            pltpu.VMEM((_SHARD,), jnp.float32),
            pltpu.VMEM((_SHARD,), jnp.float32),
            pltpu.VMEM((_SHARD,), jnp.float32),
            pltpu.VMEM((_SHARD,), jnp.float32),
            pltpu.VMEM((_SHARD,), jnp.float32),
            pltpu.VMEM((_SHARD,), jnp.float32),
            pltpu.VMEM((16,), jnp.int32),
            pltpu.VMEM((_PARTS * 16,), jnp.int32),
            pltpu.VMEM((_BBOX_NUM * 4,), jnp.float32),
            pltpu.VMEM_SHARED((2, 256), jnp.int32),
        ],
    )(scores, y1, x1, y2, x2)


def kernel(classifications, bboxes):
    scores = classifications[:, :, 1]
    scores = jnp.pad(scores, ((0, 0), (0, _N_PAD - _N)), constant_values=_NEG)
    coords = jnp.pad(bboxes, ((0, 0), (0, _N_PAD - _N), (0, 0)))
    y1 = coords[:, :, 0]
    x1 = coords[:, :, 1]
    y2 = coords[:, :, 2]
    x2 = coords[:, :, 3]
    out = _nms_sc(scores, y1, x1, y2, x2)
    return out.reshape(_B, _BBOX_NUM, 4)

# --- scband reference (transcript-rebuilt; emitter-appended) ---
"""Pipeline reference for scband-bbox-proposal-48696339202426 (READ-ONLY COPY).

The authoritative reference and input builder live on the scoring server;
editing this copy changes nothing except your own understanding.
"""

import jax, jax.numpy as jnp
import numpy as np

BBOX_NUM = 300
NMS_THRESHOLD = 0.5


def setup_inputs(seed: int = 0) -> dict:
    key = jax.random.key(seed)
    k1, k2 = jax.random.split(key)
    classifications = jax.random.uniform(k1, (8, 20000, 2), dtype=jnp.float32)
    bboxes = jax.random.uniform(k2, (8, 20000, 4), dtype=jnp.float32)
    return {"classifications": classifications, "bboxes": bboxes}


def _iou_one_vs_all(box, boxes):
    y1 = jnp.maximum(box[0], boxes[:, 0])
    x1 = jnp.maximum(box[1], boxes[:, 1])
    y2 = jnp.minimum(box[2], boxes[:, 2])
    x2 = jnp.minimum(box[3], boxes[:, 3])
    inter = jnp.maximum(y2 - y1, 0.0) * jnp.maximum(x2 - x1, 0.0)
    area_box = jnp.maximum(box[2] - box[0], 0.0) * jnp.maximum(box[3] - box[1], 0.0)
    areas = jnp.maximum(boxes[:, 2] - boxes[:, 0], 0.0) * jnp.maximum(boxes[:, 3] - boxes[:, 1], 0.0)
    union = area_box + areas - inter
    return jnp.where(union > 0.0, inter / union, 0.0)


def _nms_single(scores, boxes):
    N = boxes.shape[0]
    order = jnp.argsort(-scores)
    bs = boxes[order]
    arange_n = jnp.arange(N)

    def step(suppressed, _):
        avail = ~suppressed
        idx = jnp.argmax(avail)
        valid = avail[idx]
        box = bs[idx]
        ious = _iou_one_vs_all(box, bs)
        new_sup = jnp.where(valid, suppressed | (ious > NMS_THRESHOLD) | (arange_n == idx), suppressed)
        return new_sup, (idx, valid)

    _, (sel_idx, sel_valid) = jax.lax.scan(step, jnp.zeros((N,), dtype=bool), None, length=BBOX_NUM)
    gathered = bs[sel_idx]
    # pad invalid (exhausted) slots with -1, matching tf.pad(constant_values=-1)
    out = jnp.where(sel_valid[:, None], gathered, -1.0)
    return out


def reference(classifications, bboxes):
    scores = classifications[:, :, 1]
    out = jax.vmap(_nms_single)(scores, bboxes)
    return out

if __name__ == "__main__":
    import jax
    _d = setup_inputs()
    print(jax.jit(kernel)(*tuple(_d.values())))

</pallas_src>

<mosaic_0001>
#map = affine_map<(d0, d1) -> (0, 0)>
module attributes {stable_mosaic.version = 14 : i64} {
  func.func @_sc_body(%arg0: i32, %arg1: i32, %arg2: memref<8x20480xf32, #tpu.memory_space<hbm>>, %arg3: memref<8x20480xf32, #tpu.memory_space<hbm>>, %arg4: memref<8x20480xf32, #tpu.memory_space<hbm>>, %arg5: memref<8x20480xf32, #tpu.memory_space<hbm>>, %arg6: memref<8x20480xf32, #tpu.memory_space<hbm>>, %arg7: memref<8x1200xf32, #tpu.memory_space<hbm>>, %arg8: memref<5120xf32, #tpu.memory_space<vmem>>, %arg9: memref<5120xf32, #tpu.memory_space<vmem>>, %arg10: memref<5120xf32, #tpu.memory_space<vmem>>, %arg11: memref<5120xf32, #tpu.memory_space<vmem>>, %arg12: memref<5120xf32, #tpu.memory_space<vmem>>, %arg13: memref<5120xf32, #tpu.memory_space<vmem>>, %arg14: memref<16xi32, #tpu.memory_space<vmem>>, %arg15: memref<64xi32, #tpu.memory_space<vmem>>, %arg16: memref<1200xf32, #tpu.memory_space<vmem>>, %arg17: memref<2x256xi32, #tpu.memory_space<vmem_shared>>) attributes {dimension_semantics = [#tpu.dimension_semantics<core_parallel>, #tpu.dimension_semantics<subcore_parallel>], iteration_bounds = array<i64: 2, 16>, scalar_prefetch = 0 : i64, scratch_operands = 10 : i64, tpu.core_type = #tpu.core_type<sc_vector_subcore>, window_params = [{transform_indices = #map}, {transform_indices = #map}, {transform_indices = #map}, {transform_indices = #map}, {transform_indices = #map}, {transform_indices = #map}]} {
    %mul3A = arith.constant 4 : i32
    %mul3A_0 = arith.muli %arg0, %mul3A : i32
    %jit3A = arith.constant 4 : i32
    %div3A = arith.divsi %arg1, %jit3A : i32
    %sign3A = arith.constant 0 : i32
    %sign3A_1 = arith.cmpi sgt, %arg1, %sign3A : i32
    %sign3A_2 = arith.extui %sign3A_1 : i1 to i32
    %sign3A_3 = arith.constant 0 : i32
    %sign3A_4 = arith.cmpi slt, %arg1, %sign3A_3 : i32
    %sign3A_5 = arith.extui %sign3A_4 : i1 to i32
    %sign3A_6 = arith.subi %sign3A_2, %sign3A_5 : i32
    %sign3A_7 = arith.constant 0 : i32
    %sign3A_8 = arith.cmpi sgt, %jit3A, %sign3A_7 : i32
    %sign3A_9 = arith.extui %sign3A_8 : i1 to i32
    %sign3A_10 = arith.constant 0 : i32
    %sign3A_11 = arith.cmpi slt, %jit3A, %sign3A_10 : i32
    %sign3A_12 = arith.extui %sign3A_11 : i1 to i32
    %sign3A_13 = arith.subi %sign3A_9, %sign3A_12 : i32
    %ne3A = arith.cmpi ne, %sign3A_6, %sign3A_13 : i32
    %rem3A = arith.remsi %arg1, %jit3A : i32
    %ne3A_14 = arith.constant 0 : i32
    %ne3A_15 = arith.cmpi ne, %rem3A, %ne3A_14 : i32
    %and3A = arith.andi %ne3A, %ne3A_15 : i1
    %sub3A = arith.constant 1 : i32
    %sub3A_16 = arith.subi %div3A, %sub3A : i32
    %select_n3A = arith.select %and3A, %sub3A_16, %div3A : i32
    %add3A = arith.addi %mul3A_0, %select_n3A : i32
    %jit3A_17 = arith.constant 4 : i32
    %eq3A = arith.constant 0 : i32
    %eq3A_18 = arith.cmpi eq, %jit3A_17, %eq3A : i32
    %jit3A_19 = arith.constant 1 : i32
    %select_n3A_20 = arith.select %eq3A_18, %jit3A_19, %jit3A_17 : i32
    %rem3A_21 = arith.remsi %arg1, %select_n3A_20 : i32
    %ne3A_22 = arith.constant 0 : i32
    %ne3A_23 = arith.cmpi ne, %rem3A_21, %ne3A_22 : i32
    %lt3A = arith.constant 0 : i32
    %lt3A_24 = arith.cmpi slt, %rem3A_21, %lt3A : i32
    %lt3A_25 = arith.constant 0 : i32
    %lt3A_26 = arith.cmpi slt, %select_n3A_20, %lt3A_25 : i32
    %ne3A_27 = arith.xori %lt3A_24, %lt3A_26 : i1
    %and3A_28 = arith.andi %ne3A_27, %ne3A_23 : i1
    %add3A_29 = arith.addi %rem3A_21, %select_n3A_20 : i32
    %select_n3A_30 = arith.select %and3A_28, %add3A_29, %rem3A_21 : i32
    %mul3A_31 = arith.constant 5120 : i32
    %mul3A_32 = arith.muli %select_n3A_30, %mul3A_31 : i32
    "tpu.region"() ({
      %run_scoped3A = tpu.sem_alloc : memref<!tpu.dma_semaphore, #tpu.memory_space<semaphore_mem>>
      %dma_start3A = tpu.memref_slice %arg2[%add3A, %mul3A_32] : memref<8x20480xf32, #tpu.memory_space<hbm>> -> memref<1x5120xf32, #tpu.memory_space<hbm>>
      %dma_start3A_51 = tpu.memref_squeeze %dma_start3A : memref<1x5120xf32, #tpu.memory_space<hbm>> -> memref<5120xf32, #tpu.memory_space<hbm>>
      %dma_start3A_52 = tpu.memref_slice %arg2[%add3A, %mul3A_32] : memref<8x20480xf32, #tpu.memory_space<hbm>> -> memref<1x5120xf32, #tpu.memory_space<hbm>>
      %dma_start3A_53 = tpu.memref_squeeze %dma_start3A_52 : memref<1x5120xf32, #tpu.memory_space<hbm>> -> memref<5120xf32, #tpu.memory_space<hbm>>
      tpu.enqueue_dma source(%dma_start3A_53 : memref<5120xf32, #tpu.memory_space<hbm>>) target(%arg8 : memref<5120xf32, #tpu.memory_space<vmem>>) target_semaphore(%run_scoped3A : memref<!tpu.dma_semaphore, #tpu.memory_space<semaphore_mem>>)
      %dma_wait3A = tpu.memref_slice %arg2[%add3A, %mul3A_32] : memref<8x20480xf32, #tpu.memory_space<hbm>> -> memref<1x5120xf32, #tpu.memory_space<hbm>>
      %dma_wait3A_54 = tpu.memref_squeeze %dma_wait3A : memref<1x5120xf32, #tpu.memory_space<hbm>> -> memref<5120xf32, #tpu.memory_space<hbm>>
      %dma_wait3A_55 = tpu.memref_slice %arg2[%add3A, %mul3A_32] : memref<8x20480xf32, #tpu.memory_space<hbm>> -> memref<1x5120xf32, #tpu.memory_space<hbm>>
      %dma_wait3A_56 = tpu.memref_squeeze %dma_wait3A_55 : memref<1x5120xf32, #tpu.memory_space<hbm>> -> memref<5120xf32, #tpu.memory_space<hbm>>
      tpu.wait_dma2 semaphore(%run_scoped3A : memref<!tpu.dma_semaphore, #tpu.memory_space<semaphore_mem>>) src(%dma_wait3A_56 : memref<5120xf32, #tpu.memory_space<hbm>>) dst(%arg8 : memref<5120xf32, #tpu.memory_space<vmem>>)
      tpu.yield
    }) : () -> ()
    "tpu.region"() ({
      %run_scoped3A = tpu.sem_alloc : memref<!tpu.dma_semaphore, #tpu.memory_space<semaphore_mem>>
      %dma_start3A = tpu.memref_slice %arg3[%add3A, %mul3A_32] : memref<8x20480xf32, #tpu.memory_space<hbm>> -> memref<1x5120xf32, #tpu.memory_space<hbm>>
      %dma_start3A_51 = tpu.memref_squeeze %dma_start3A : memref<1x5120xf32, #tpu.memory_space<hbm>> -> memref<5120xf32, #tpu.memory_space<hbm>>
      %dma_start3A_52 = tpu.memref_slice %arg3[%add3A, %mul3A_32] : memref<8x20480xf32, #tpu.memory_space<hbm>> -> memref<1x5120xf32, #tpu.memory_space<hbm>>
      %dma_start3A_53 = tpu.memref_squeeze %dma_start3A_52 : memref<1x5120xf32, #tpu.memory_space<hbm>> -> memref<5120xf32, #tpu.memory_space<hbm>>
      tpu.enqueue_dma source(%dma_start3A_53 : memref<5120xf32, #tpu.memory_space<hbm>>) target(%arg9 : memref<5120xf32, #tpu.memory_space<vmem>>) target_semaphore(%run_scoped3A : memref<!tpu.dma_semaphore, #tpu.memory_space<semaphore_mem>>)
      %dma_wait3A = tpu.memref_slice %arg3[%add3A, %mul3A_32] : memref<8x20480xf32, #tpu.memory_space<hbm>> -> memref<1x5120xf32, #tpu.memory_space<hbm>>
      %dma_wait3A_54 = tpu.memref_squeeze %dma_wait3A : memref<1x5120xf32, #tpu.memory_space<hbm>> -> memref<5120xf32, #tpu.memory_space<hbm>>
      %dma_wait3A_55 = tpu.memref_slice %arg3[%add3A, %mul3A_32] : memref<8x20480xf32, #tpu.memory_space<hbm>> -> memref<1x5120xf32, #tpu.memory_space<hbm>>
      %dma_wait3A_56 = tpu.memref_squeeze %dma_wait3A_55 : memref<1x5120xf32, #tpu.memory_space<hbm>> -> memref<5120xf32, #tpu.memory_space<hbm>>
      tpu.wait_dma2 semaphore(%run_scoped3A : memref<!tpu.dma_semaphore, #tpu.memory_space<semaphore_mem>>) src(%dma_wait3A_56 : memref<5120xf32, #tpu.memory_space<hbm>>) dst(%arg9 : memref<5120xf32, #tpu.memory_space<vmem>>)
      tpu.yield
    }) : () -> ()
    "tpu.region"() ({
      %run_scoped3A = tpu.sem_alloc : memref<!tpu.dma_semaphore, #tpu.memory_space<semaphore_mem>>
      %dma_start3A = tpu.memref_slice %arg4[%add3A, %mul3A_32] : memref<8x20480xf32, #tpu.memory_space<hbm>> -> memref<1x5120xf32, #tpu.memory_space<hbm>>
      %dma_start3A_51 = tpu.memref_squeeze %dma_start3A : memref<1x5120xf32, #tpu.memory_space<hbm>> -> memref<5120xf32, #tpu.memory_space<hbm>>
      %dma_start3A_52 = tpu.memref_slice %arg4[%add3A, %mul3A_32] : memref<8x20480xf32, #tpu.memory_space<hbm>> -> memref<1x5120xf32, #tpu.memory_space<hbm>>
      %dma_start3A_53 = tpu.memref_squeeze %dma_start3A_52 : memref<1x5120xf32, #tpu.memory_space<hbm>> -> memref<5120xf32, #tpu.memory_space<hbm>>
      tpu.enqueue_dma source(%dma_start3A_53 : memref<5120xf32, #tpu.memory_space<hbm>>) target(%arg10 : memref<5120xf32, #tpu.memory_space<vmem>>) target_semaphore(%run_scoped3A : memref<!tpu.dma_semaphore, #tpu.memory_space<semaphore_mem>>)
      %dma_wait3A = tpu.memref_slice %arg4[%add3A, %mul3A_32] : memref<8x20480xf32, #tpu.memory_space<hbm>> -> memref<1x5120xf32, #tpu.memory_space<hbm>>
      %dma_wait3A_54 = tpu.memref_squeeze %dma_wait3A : memref<1x5120xf32, #tpu.memory_space<hbm>> -> memref<5120xf32, #tpu.memory_space<hbm>>
      %dma_wait3A_55 = tpu.memref_slice %arg4[%add3A, %mul3A_32] : memref<8x20480xf32, #tpu.memory_space<hbm>> -> memref<1x5120xf32, #tpu.memory_space<hbm>>
      %dma_wait3A_56 = tpu.memref_squeeze %dma_wait3A_55 : memref<1x5120xf32, #tpu.memory_space<hbm>> -> memref<5120xf32, #tpu.memory_space<hbm>>
      tpu.wait_dma2 semaphore(%run_scoped3A : memref<!tpu.dma_semaphore, #tpu.memory_space<semaphore_mem>>) src(%dma_wait3A_56 : memref<5120xf32, #tpu.memory_space<hbm>>) dst(%arg10 : memref<5120xf32, #tpu.memory_space<vmem>>)
      tpu.yield
    }) : () -> ()
    "tpu.region"() ({
      %run_scoped3A = tpu.sem_alloc : memref<!tpu.dma_semaphore, #tpu.memory_space<semaphore_mem>>
      %dma_start3A = tpu.memref_slice %arg5[%add3A, %mul3A_32] : memref<8x20480xf32, #tpu.memory_space<hbm>> -> memref<1x5120xf32, #tpu.memory_space<hbm>>
      %dma_start3A_51 = tpu.memref_squeeze %dma_start3A : memref<1x5120xf32, #tpu.memory_space<hbm>> -> memref<5120xf32, #tpu.memory_space<hbm>>
      %dma_start3A_52 = tpu.memref_slice %arg5[%add3A, %mul3A_32] : memref<8x20480xf32, #tpu.memory_space<hbm>> -> memref<1x5120xf32, #tpu.memory_space<hbm>>
      %dma_start3A_53 = tpu.memref_squeeze %dma_start3A_52 : memref<1x5120xf32, #tpu.memory_space<hbm>> -> memref<5120xf32, #tpu.memory_space<hbm>>
      tpu.enqueue_dma source(%dma_start3A_53 : memref<5120xf32, #tpu.memory_space<hbm>>) target(%arg11 : memref<5120xf32, #tpu.memory_space<vmem>>) target_semaphore(%run_scoped3A : memref<!tpu.dma_semaphore, #tpu.memory_space<semaphore_mem>>)
      %dma_wait3A = tpu.memref_slice %arg5[%add3A, %mul3A_32] : memref<8x20480xf32, #tpu.memory_space<hbm>> -> memref<1x5120xf32, #tpu.memory_space<hbm>>
      %dma_wait3A_54 = tpu.memref_squeeze %dma_wait3A : memref<1x5120xf32, #tpu.memory_space<hbm>> -> memref<5120xf32, #tpu.memory_space<hbm>>
      %dma_wait3A_55 = tpu.memref_slice %arg5[%add3A, %mul3A_32] : memref<8x20480xf32, #tpu.memory_space<hbm>> -> memref<1x5120xf32, #tpu.memory_space<hbm>>
      %dma_wait3A_56 = tpu.memref_squeeze %dma_wait3A_55 : memref<1x5120xf32, #tpu.memory_space<hbm>> -> memref<5120xf32, #tpu.memory_space<hbm>>
      tpu.wait_dma2 semaphore(%run_scoped3A : memref<!tpu.dma_semaphore, #tpu.memory_space<semaphore_mem>>) src(%dma_wait3A_56 : memref<5120xf32, #tpu.memory_space<hbm>>) dst(%arg11 : memref<5120xf32, #tpu.memory_space<vmem>>)
      tpu.yield
    }) : () -> ()
    "tpu.region"() ({
      %run_scoped3A = tpu.sem_alloc : memref<!tpu.dma_semaphore, #tpu.memory_space<semaphore_mem>>
      %dma_start3A = tpu.memref_slice %arg6[%add3A, %mul3A_32] : memref<8x20480xf32, #tpu.memory_space<hbm>> -> memref<1x5120xf32, #tpu.memory_space<hbm>>
      %dma_start3A_51 = tpu.memref_squeeze %dma_start3A : memref<1x5120xf32, #tpu.memory_space<hbm>> -> memref<5120xf32, #tpu.memory_space<hbm>>
      %dma_start3A_52 = tpu.memref_slice %arg6[%add3A, %mul3A_32] : memref<8x20480xf32, #tpu.memory_space<hbm>> -> memref<1x5120xf32, #tpu.memory_space<hbm>>
      %dma_start3A_53 = tpu.memref_squeeze %dma_start3A_52 : memref<1x5120xf32, #tpu.memory_space<hbm>> -> memref<5120xf32, #tpu.memory_space<hbm>>
      tpu.enqueue_dma source(%dma_start3A_53 : memref<5120xf32, #tpu.memory_space<hbm>>) target(%arg12 : memref<5120xf32, #tpu.memory_space<vmem>>) target_semaphore(%run_scoped3A : memref<!tpu.dma_semaphore, #tpu.memory_space<semaphore_mem>>)
      %dma_wait3A = tpu.memref_slice %arg6[%add3A, %mul3A_32] : memref<8x20480xf32, #tpu.memory_space<hbm>> -> memref<1x5120xf32, #tpu.memory_space<hbm>>
      %dma_wait3A_54 = tpu.memref_squeeze %dma_wait3A : memref<1x5120xf32, #tpu.memory_space<hbm>> -> memref<5120xf32, #tpu.memory_space<hbm>>
      %dma_wait3A_55 = tpu.memref_slice %arg6[%add3A, %mul3A_32] : memref<8x20480xf32, #tpu.memory_space<hbm>> -> memref<1x5120xf32, #tpu.memory_space<hbm>>
      %dma_wait3A_56 = tpu.memref_squeeze %dma_wait3A_55 : memref<1x5120xf32, #tpu.memory_space<hbm>> -> memref<5120xf32, #tpu.memory_space<hbm>>
      tpu.wait_dma2 semaphore(%run_scoped3A : memref<!tpu.dma_semaphore, #tpu.memory_space<semaphore_mem>>) src(%dma_wait3A_56 : memref<5120xf32, #tpu.memory_space<hbm>>) dst(%arg12 : memref<5120xf32, #tpu.memory_space<vmem>>)
      tpu.yield
    }) : () -> ()
    %iota3A = tpu.iota {dimensions = array<i32: 0>} : vector<16xi32>
    %scan3A = arith.constant 0 : i32
    %scan3A_33 = arith.constant 0 : i32
    %scan3A_34 = arith.constant 320 : i32
    %scan3A_35 = arith.addi %scan3A_33, %scan3A_34 : i32
    %scan3A_36 = arith.constant 1 : i32
    %scan3A_37 = scf.for %scan3A_51 = %scan3A_33 to %scan3A_35 step %scan3A_36 iter_args(%scan3A_52 = %scan3A) -> (i32)  : i32 {
      %mul3A_53 = arith.constant 16 : i32
      %mul3A_54 = arith.muli %scan3A_51, %mul3A_53 : i32
      %get3A = arith.index_cast %mul3A_54 : i32 to index
      %get3A_55 = tpu.vector_load %arg11[%get3A] {strides = array<i32>} : memref<5120xf32, #tpu.memory_space<vmem>>, vector<16xf32>,
      %get3A_56 = arith.index_cast %mul3A_54 : i32 to index
      %get3A_57 = tpu.vector_load %arg9[%get3A_56] {strides = array<i32>} : memref<5120xf32, #tpu.memory_space<vmem>>, vector<16xf32>,
      %sub3A_58 = arith.subf %get3A_55, %get3A_57 : vector<16xf32>
      %max3A = arith.constant 0.000000e+00 : f32
      %max3A_59 = vector.broadcast %max3A : f32 to vector<16xf32>
      %max3A_60 = arith.maximumf %sub3A_58, %max3A_59 : vector<16xf32>
      %get3A_61 = arith.index_cast %mul3A_54 : i32 to index
      %get3A_62 = tpu.vector_load %arg12[%get3A_61] {strides = array<i32>} : memref<5120xf32, #tpu.memory_space<vmem>>, vector<16xf32>,
      %get3A_63 = arith.index_cast %mul3A_54 : i32 to index
      %get3A_64 = tpu.vector_load %arg10[%get3A_63] {strides = array<i32>} : memref<5120xf32, #tpu.memory_space<vmem>>, vector<16xf32>,
      %sub3A_65 = arith.subf %get3A_62, %get3A_64 : vector<16xf32>
      %max3A_66 = arith.constant 0.000000e+00 : f32
      %max3A_67 = vector.broadcast %max3A_66 : f32 to vector<16xf32>
      %max3A_68 = arith.maximumf %sub3A_65, %max3A_67 : vector<16xf32>
      %mul3A_69 = arith.mulf %max3A_60, %max3A_68 : vector<16xf32>
      %swap3A = arith.index_cast %mul3A_54 : i32 to index
      %swap3A_70 = tpu.vector_load %arg13[%swap3A] {strides = array<i32>} : memref<5120xf32, #tpu.memory_space<vmem>>, vector<16xf32>,
      tpu.vector_store %arg13[%swap3A], %mul3A_69 {strides = array<i32>} : memref<5120xf32, #tpu.memory_space<vmem>>, vector<16xf32>,
      %scan3A_71 = arith.constant 0 : i32
      scf.yield %scan3A_71 : i32
    }
    %scan3A_38 = arith.constant 320 : i32
    %broadcast_in_dim3A = arith.constant 0.000000e+00 : f32
    %broadcast_in_dim3A_39 = vector.broadcast %broadcast_in_dim3A : f32 to vector<16xf32>
    %broadcast_in_dim3A_40 = arith.constant -1 : i32
    %broadcast_in_dim3A_41 = vector.broadcast %broadcast_in_dim3A_40 : i32 to vector<16xi32>
    %scan3A_42 = arith.constant 0 : i32
    %scan3A_43 = arith.constant 300 : i32
    %scan3A_44 = arith.addi %scan3A_42, %scan3A_43 : i32
    %scan3A_45 = arith.constant 1 : i32
    %scan3A_46:5 = scf.for %scan3A_51 = %scan3A_42 to %scan3A_44 step %scan3A_45 iter_args(%scan3A_52 = %broadcast_in_dim3A_39, %scan3A_53 = %broadcast_in_dim3A_39, %scan3A_54 = %broadcast_in_dim3A_39, %scan3A_55 = %broadcast_in_dim3A_39, %scan3A_56 = %broadcast_in_dim3A_41) -> (vector<16xf32>, vector<16xf32>, vector<16xf32>, vector<16xf32>, vector<16xi32>)  : i32 {
      %sub3A_57 = arith.subf %scan3A_54, %scan3A_52 : vector<16xf32>
      %max3A = arith.constant 0.000000e+00 : f32
      %max3A_58 = vector.broadcast %max3A : f32 to vector<16xf32>
      %max3A_59 = arith.maximumf %sub3A_57, %max3A_58 : vector<16xf32>
      %sub3A_60 = arith.subf %scan3A_55, %scan3A_53 : vector<16xf32>
      %max3A_61 = arith.constant 0.000000e+00 : f32
      %max3A_62 = vector.broadcast %max3A_61 : f32 to vector<16xf32>
      %max3A_63 = arith.maximumf %sub3A_60, %max3A_62 : vector<16xf32>
      %mul3A_64 = arith.mulf %max3A_59, %max3A_63 : vector<16xf32>
      %broadcast_in_dim3A_65 = arith.constant 0xFF800000 : f32
      %broadcast_in_dim3A_66 = vector.broadcast %broadcast_in_dim3A_65 : f32 to vector<16xf32>
      %broadcast_in_dim3A_67 = vector.broadcast %mul3A_32 : i32 to vector<16xi32>
      %scan3A_68 = arith.constant 0 : i32
      %scan3A_69 = arith.constant 320 : i32
      %scan3A_70 = arith.addi %scan3A_68, %scan3A_69 : i32
      %scan3A_71 = arith.constant 4 : i32
      %scan3A_72:2 = scf.for %scan3A_384 = %scan3A_68 to %scan3A_70 step %scan3A_71 iter_args(%scan3A_385 = %broadcast_in_dim3A_66, %scan3A_386 = %broadcast_in_dim3A_67) -> (vector<16xf32>, vector<16xi32>)  : i32 {
        %mul3A_387 = arith.constant 16 : i32
        %mul3A_388 = arith.muli %scan3A_384, %mul3A_387 : i32
        %get3A_389 = arith.index_cast %mul3A_388 : i32 to index
        %get3A_390 = tpu.vector_load %arg8[%get3A_389] {strides = array<i32>} : memref<5120xf32, #tpu.memory_space<vmem>>, vector<16xf32>,
        %get3A_391 = arith.index_cast %mul3A_388 : i32 to index
        %get3A_392 = tpu.vector_load %arg9[%get3A_391] {strides = array<i32>} : memref<5120xf32, #tpu.memory_space<vmem>>, vector<16xf32>,
        %get3A_393 = arith.index_cast %mul3A_388 : i32 to index
        %get3A_394 = tpu.vector_load %arg10[%get3A_393] {strides = array<i32>} : memref<5120xf32, #tpu.memory_space<vmem>>, vector<16xf32>,
        %get3A_395 = arith.index_cast %mul3A_388 : i32 to index
        %get3A_396 = tpu.vector_load %arg11[%get3A_395] {strides = array<i32>} : memref<5120xf32, #tpu.memory_space<vmem>>, vector<16xf32>,
        %get3A_397 = arith.index_cast %mul3A_388 : i32 to index
        %get3A_398 = tpu.vector_load %arg12[%get3A_397] {strides = array<i32>} : memref<5120xf32, #tpu.memory_space<vmem>>, vector<16xf32>,
        %get3A_399 = arith.index_cast %mul3A_388 : i32 to index
        %get3A_400 = tpu.vector_load %arg13[%get3A_399] {strides = array<i32>} : memref<5120xf32, #tpu.memory_space<vmem>>, vector<16xf32>,
        %max3A_401 = arith.maximumf %scan3A_52, %get3A_392 : vector<16xf32>
        %max3A_402 = arith.maximumf %scan3A_53, %get3A_394 : vector<16xf32>
        %min3A = arith.minimumf %scan3A_54, %get3A_396 : vector<16xf32>
        %min3A_403 = arith.minimumf %scan3A_55, %get3A_398 : vector<16xf32>
        %sub3A_404 = arith.subf %min3A, %max3A_401 : vector<16xf32>
        %max3A_405 = arith.constant 0.000000e+00 : f32
        %max3A_406 = vector.broadcast %max3A_405 : f32 to vector<16xf32>
        %max3A_407 = arith.maximumf %sub3A_404, %max3A_406 : vector<16xf32>
        %sub3A_408 = arith.subf %min3A_403, %max3A_402 : vector<16xf32>
        %max3A_409 = arith.constant 0.000000e+00 : f32
        %max3A_410 = vector.broadcast %max3A_409 : f32 to vector<16xf32>
        %max3A_411 = arith.maximumf %sub3A_408, %max3A_410 : vector<16xf32>
        %mul3A_412 = arith.mulf %max3A_407, %max3A_411 : vector<16xf32>
        %add3A_413 = arith.addf %mul3A_64, %get3A_400 : vector<16xf32>
        %sub3A_414 = arith.subf %add3A_413, %mul3A_412 : vector<16xf32>
        %mul3A_415 = arith.constant 5.000000e-01 : f32
        %mul3A_416 = vector.broadcast %mul3A_415 : f32 to vector<16xf32>
        %mul3A_417 = arith.mulf %mul3A_416, %sub3A_414 : vector<16xf32>
        %sub3A_418 = arith.subf %mul3A_412, %mul3A_417 : vector<16xf32>
        %mul3A_419 = arith.constant 1.49011612E-8 : f32
        %mul3A_420 = vector.broadcast %mul3A_419 : f32 to vector<16xf32>
        %mul3A_421 = arith.mulf %sub3A_414, %mul3A_420 : vector<16xf32>
        %gt3A_422 = arith.cmpf ogt, %sub3A_418, %mul3A_421 : vector<16xf32>
        %add3A_423 = arith.addi %mul3A_32, %mul3A_388 : i32
        %add3A_424 = vector.broadcast %add3A_423 : i32 to vector<16xi32>
        %add3A_425 = arith.addi %iota3A, %add3A_424 : vector<16xi32>
        %gt3A_426 = arith.constant 0.000000e+00 : f32
        %gt3A_427 = vector.broadcast %gt3A_426 : f32 to vector<16xf32>
        %gt3A_428 = arith.cmpf ogt, %sub3A_414, %gt3A_427 : vector<16xf32>
        %and3A_429 = arith.andi %gt3A_428, %gt3A_422 : vector<16xi1>
        %eq3A_430 = arith.cmpi eq, %add3A_425, %scan3A_56 : vector<16xi32>
        %or3A_431 = arith.ori %and3A_429, %eq3A_430 : vector<16xi1>
        %jit3A_432 = arith.constant 0xFF800000 : f32
        %broadcast_in_dim3A_433 = vector.broadcast %jit3A_432 : f32 to vector<16xf32>
        %select_n3A_434 = arith.select %or3A_431, %broadcast_in_dim3A_433, %get3A_390 : vector<16xi1>, vector<16xf32>
        %swap3A_435 = arith.index_cast %mul3A_388 : i32 to index
        %swap3A_436 = tpu.vector_load %arg8[%swap3A_435] {strides = array<i32>} : memref<5120xf32, #tpu.memory_space<vmem>>, vector<16xf32>,
        tpu.vector_store %arg8[%swap3A_435], %select_n3A_434 {strides = array<i32>} : memref<5120xf32, #tpu.memory_space<vmem>>, vector<16xf32>,
        %gt3A_437 = arith.cmpf ogt, %select_n3A_434, %scan3A_385 : vector<16xf32>
        %select_n3A_438 = arith.select %gt3A_437, %select_n3A_434, %scan3A_385 : vector<16xi1>, vector<16xf32>
        %select_n3A_439 = arith.select %gt3A_437, %add3A_425, %scan3A_386 : vector<16xi1>, vector<16xi32>
        %scan3A_440 = arith.constant 1 : i32
        %scan3A_441 = arith.addi %scan3A_384, %scan3A_440 : i32
        %mul3A_442 = arith.constant 16 : i32
        %mul3A_443 = arith.muli %scan3A_441, %mul3A_442 : i32
        %get3A_444 = arith.index_cast %mul3A_443 : i32 to index
        %get3A_445 = tpu.vector_load %arg8[%get3A_444] {strides = array<i32>} : memref<5120xf32, #tpu.memory_space<vmem>>, vector<16xf32>,
        %get3A_446 = arith.index_cast %mul3A_443 : i32 to index
        %get3A_447 = tpu.vector_load %arg9[%get3A_446] {strides = array<i32>} : memref<5120xf32, #tpu.memory_space<vmem>>, vector<16xf32>,
        %get3A_448 = arith.index_cast %mul3A_443 : i32 to index
        %get3A_449 = tpu.vector_load %arg10[%get3A_448] {strides = array<i32>} : memref<5120xf32, #tpu.memory_space<vmem>>, vector<16xf32>,
        %get3A_450 = arith.index_cast %mul3A_443 : i32 to index
        %get3A_451 = tpu.vector_load %arg11[%get3A_450] {strides = array<i32>} : memref<5120xf32, #tpu.memory_space<vmem>>, vector<16xf32>,
        %get3A_452 = arith.index_cast %mul3A_443 : i32 to index
        %get3A_453 = tpu.vector_load %arg12[%get3A_452] {strides = array<i32>} : memref<5120xf32, #tpu.memory_space<vmem>>, vector<16xf32>,
        %get3A_454 = arith.index_cast %mul3A_443 : i32 to index
        %get3A_455 = tpu.vector_load %arg13[%get3A_454] {strides = array<i32>} : memref<5120xf32, #tpu.memory_space<vmem>>, vector<16xf32>,
        %max3A_456 = arith.maximumf %scan3A_52, %get3A_447 : vector<16xf32>
        %max3A_457 = arith.maximumf %scan3A_53, %get3A_449 : vector<16xf32>
        %min3A_458 = arith.minimumf %scan3A_54, %get3A_451 : vector<16xf32>
        %min3A_459 = arith.minimumf %scan3A_55, %get3A_453 : vector<16xf32>
        %sub3A_460 = arith.subf %min3A_458, %max3A_456 : vector<16xf32>
        %max3A_461 = arith.constant 0.000000e+00 : f32
        %max3A_462 = vector.broadcast %max3A_461 : f32 to vector<16xf32>
        %max3A_463 = arith.maximumf %sub3A_460, %max3A_462 : vector<16xf32>
        %sub3A_464 = arith.subf %min3A_459, %max3A_457 : vector<16xf32>
        %max3A_465 = arith.constant 0.000000e+00 : f32
        %max3A_466 = vector.broadcast %max3A_465 : f32 to vector<16xf32>
        %max3A_467 = arith.maximumf %sub3A_464, %max3A_466 : vector<16xf32>
        %mul3A_468 = arith.mulf %max3A_463, %max3A_467 : vector<16xf32>
        %add3A_469 = arith.addf %mul3A_64, %get3A_455 : vector<16xf32>
        %sub3A_470 = arith.subf %add3A_469, %mul3A_468 : vector<16xf32>
        %mul3A_471 = arith.constant 5.000000e-01 : f32
        %mul3A_472 = vector.broadcast %mul3A_471 : f32 to vector<16xf32>
        %mul3A_473 = arith.mulf %mul3A_472, %sub3A_470 : vector<16xf32>
        %sub3A_474 = arith.subf %mul3A_468, %mul3A_473 : vector<16xf32>
        %mul3A_475 = arith.constant 1.49011612E-8 : f32
        %mul3A_476 = vector.broadcast %mul3A_475 : f32 to vector<16xf32>
        %mul3A_477 = arith.mulf %sub3A_470, %mul3A_476 : vector<16xf32>
        %gt3A_478 = arith.cmpf ogt, %sub3A_474, %mul3A_477 : vector<16xf32>
        %add3A_479 = arith.addi %mul3A_32, %mul3A_443 : i32
        %add3A_480 = vector.broadcast %add3A_479 : i32 to vector<16xi32>
        %add3A_481 = arith.addi %iota3A, %add3A_480 : vector<16xi32>
        %gt3A_482 = arith.constant 0.000000e+00 : f32
        %gt3A_483 = vector.broadcast %gt3A_482 : f32 to vector<16xf32>
        %gt3A_484 = arith.cmpf ogt, %sub3A_470, %gt3A_483 : vector<16xf32>
        %and3A_485 = arith.andi %gt3A_484, %gt3A_478 : vector<16xi1>
        %eq3A_486 = arith.cmpi eq, %add3A_481, %scan3A_56 : vector<16xi32>
        %or3A_487 = arith.ori %and3A_485, %eq3A_486 : vector<16xi1>
        %jit3A_488 = arith.constant 0xFF800000 : f32
        %broadcast_in_dim3A_489 = vector.broadcast %jit3A_488 : f32 to vector<16xf32>
        %select_n3A_490 = arith.select %or3A_487, %broadcast_in_dim3A_489, %get3A_445 : vector<16xi1>, vector<16xf32>
        %swap3A_491 = arith.index_cast %mul3A_443 : i32 to index
        %swap3A_492 = tpu.vector_load %arg8[%swap3A_491] {strides = array<i32>} : memref<5120xf32, #tpu.memory_space<vmem>>, vector<16xf32>,
        tpu.vector_store %arg8[%swap3A_491], %select_n3A_490 {strides = array<i32>} : memref<5120xf32, #tpu.memory_space<vmem>>, vector<16xf32>,
        %gt3A_493 = arith.cmpf ogt, %select_n3A_490, %select_n3A_438 : vector<16xf32>
        %select_n3A_494 = arith.select %gt3A_493, %select_n3A_490, %select_n3A_438 : vector<16xi1>, vector<16xf32>
        %select_n3A_495 = arith.select %gt3A_493, %add3A_481, %select_n3A_439 : vector<16xi1>, vector<16xi32>
        %scan3A_496 = arith.constant 2 : i32
        %scan3A_497 = arith.addi %scan3A_384, %scan3A_496 : i32
        %mul3A_498 = arith.constant 16 : i32
        %mul3A_499 = arith.muli %scan3A_497, %mul3A_498 : i32
        %get3A_500 = arith.index_cast %mul3A_499 : i32 to index
        %get3A_501 = tpu.vector_load %arg8[%get3A_500] {strides = array<i32>} : memref<5120xf32, #tpu.memory_space<vmem>>, vector<16xf32>,
        %get3A_502 = arith.index_cast %mul3A_499 : i32 to index
        %get3A_503 = tpu.vector_load %arg9[%get3A_502] {strides = array<i32>} : memref<5120xf32, #tpu.memory_space<vmem>>, vector<16xf32>,
        %get3A_504 = arith.index_cast %mul3A_499 : i32 to index
        %get3A_505 = tpu.vector_load %arg10[%get3A_504] {strides = array<i32>} : memref<5120xf32, #tpu.memory_space<vmem>>, vector<16xf32>,
        %get3A_506 = arith.index_cast %mul3A_499 : i32 to index
        %get3A_507 = tpu.vector_load %arg11[%get3A_506] {strides = array<i32>} : memref<5120xf32, #tpu.memory_space<vmem>>, vector<16xf32>,
        %get3A_508 = arith.index_cast %mul3A_499 : i32 to index
        %get3A_509 = tpu.vector_load %arg12[%get3A_508] {strides = array<i32>} : memref<5120xf32, #tpu.memory_space<vmem>>, vector<16xf32>,
        %get3A_510 = arith.index_cast %mul3A_499 : i32 to index
        %get3A_511 = tpu.vector_load %arg13[%get3A_510] {strides = array<i32>} : memref<5120xf32, #tpu.memory_space<vmem>>, vector<16xf32>,
        %max3A_512 = arith.maximumf %scan3A_52, %get3A_503 : vector<16xf32>
        %max3A_513 = arith.maximumf %scan3A_53, %get3A_505 : vector<16xf32>
        %min3A_514 = arith.minimumf %scan3A_54, %get3A_507 : vector<16xf32>
        %min3A_515 = arith.minimumf %scan3A_55, %get3A_509 : vector<16xf32>
        %sub3A_516 = arith.subf %min3A_514, %max3A_512 : vector<16xf32>
        %max3A_517 = arith.constant 0.000000e+00 : f32
        %max3A_518 = vector.broadcast %max3A_517 : f32 to vector<16xf32>
        %max3A_519 = arith.maximumf %sub3A_516, %max3A_518 : vector<16xf32>
        %sub3A_520 = arith.subf %min3A_515, %max3A_513 : vector<16xf32>
        %max3A_521 = arith.constant 0.000000e+00 : f32
        %max3A_522 = vector.broadcast %max3A_521 : f32 to vector<16xf32>
        %max3A_523 = arith.maximumf %sub3A_520, %max3A_522 : vector<16xf32>
        %mul3A_524 = arith.mulf %max3A_519, %max3A_523 : vector<16xf32>
        %add3A_525 = arith.addf %mul3A_64, %get3A_511 : vector<16xf32>
        %sub3A_526 = arith.subf %add3A_525, %mul3A_524 : vector<16xf32>
        %mul3A_527 = arith.constant 5.000000e-01 : f32
        %mul3A_528 = vector.broadcast %mul3A_527 : f32 to vector<16xf32>
        %mul3A_529 = arith.mulf %mul3A_528, %sub3A_526 : vector<16xf32>
        %sub3A_530 = arith.subf %mul3A_524, %mul3A_529 : vector<16xf32>
        %mul3A_531 = arith.constant 1.49011612E-8 : f32
        %mul3A_532 = vector.broadcast %mul3A_531 : f32 to vector<16xf32>
        %mul3A_533 = arith.mulf %sub3A_526, %mul3A_532 : vector<16xf32>
        %gt3A_534 = arith.cmpf ogt, %sub3A_530, %mul3A_533 : vector<16xf32>
        %add3A_535 = arith.addi %mul3A_32, %mul3A_499 : i32
        %add3A_536 = vector.broadcast %add3A_535 : i32 to vector<16xi32>
        %add3A_537 = arith.addi %iota3A, %add3A_536 : vector<16xi32>
        %gt3A_538 = arith.constant 0.000000e+00 : f32
        %gt3A_539 = vector.broadcast %gt3A_538 : f32 to vector<16xf32>
        %gt3A_540 = arith.cmpf ogt, %sub3A_526, %gt3A_539 : vector<16xf32>
        %and3A_541 = arith.andi %gt3A_540, %gt3A_534 : vector<16xi1>
        %eq3A_542 = arith.cmpi eq, %add3A_537, %scan3A_56 : vector<16xi32>
        %or3A_543 = arith.ori %and3A_541, %eq3A_542 : vector<16xi1>
        %jit3A_544 = arith.constant 0xFF800000 : f32
        %broadcast_in_dim3A_545 = vector.broadcast %jit3A_544 : f32 to vector<16xf32>
        %select_n3A_546 = arith.select %or3A_543, %broadcast_in_dim3A_545, %get3A_501 : vector<16xi1>, vector<16xf32>
        %swap3A_547 = arith.index_cast %mul3A_499 : i32 to index
        %swap3A_548 = tpu.vector_load %arg8[%swap3A_547] {strides = array<i32>} : memref<5120xf32, #tpu.memory_space<vmem>>, vector<16xf32>,
        tpu.vector_store %arg8[%swap3A_547], %select_n3A_546 {strides = array<i32>} : memref<5120xf32, #tpu.memory_space<vmem>>, vector<16xf32>,
        %gt3A_549 = arith.cmpf ogt, %select_n3A_546, %select_n3A_494 : vector<16xf32>
        %select_n3A_550 = arith.select %gt3A_549, %select_n3A_546, %select_n3A_494 : vector<16xi1>, vector<16xf32>
        %select_n3A_551 = arith.select %gt3A_549, %add3A_537, %select_n3A_495 : vector<16xi1>, vector<16xi32>
        %scan3A_552 = arith.constant 3 : i32
        %scan3A_553 = arith.addi %scan3A_384, %scan3A_552 : i32
        %mul3A_554 = arith.constant 16 : i32
        %mul3A_555 = arith.muli %scan3A_553, %mul3A_554 : i32
        %get3A_556 = arith.index_cast %mul3A_555 : i32 to index
        %get3A_557 = tpu.vector_load %arg8[%get3A_556] {strides = array<i32>} : memref<5120xf32, #tpu.memory_space<vmem>>, vector<16xf32>,
        %get3A_558 = arith.index_cast %mul3A_555 : i32 to index
        %get3A_559 = tpu.vector_load %arg9[%get3A_558] {strides = array<i32>} : memref<5120xf32, #tpu.memory_space<vmem>>, vector<16xf32>,
        %get3A_560 = arith.index_cast %mul3A_555 : i32 to index
        %get3A_561 = tpu.vector_load %arg10[%get3A_560] {strides = array<i32>} : memref<5120xf32, #tpu.memory_space<vmem>>, vector<16xf32>,
        %get3A_562 = arith.index_cast %mul3A_555 : i32 to index
        %get3A_563 = tpu.vector_load %arg11[%get3A_562] {strides = array<i32>} : memref<5120xf32, #tpu.memory_space<vmem>>, vector<16xf32>,
        %get3A_564 = arith.index_cast %mul3A_555 : i32 to index
        %get3A_565 = tpu.vector_load %arg12[%get3A_564] {strides = array<i32>} : memref<5120xf32, #tpu.memory_space<vmem>>, vector<16xf32>,
        %get3A_566 = arith.index_cast %mul3A_555 : i32 to index
        %get3A_567 = tpu.vector_load %arg13[%get3A_566] {strides = array<i32>} : memref<5120xf32, #tpu.memory_space<vmem>>, vector<16xf32>,
        %max3A_568 = arith.maximumf %scan3A_52, %get3A_559 : vector<16xf32>
        %max3A_569 = arith.maximumf %scan3A_53, %get3A_561 : vector<16xf32>
        %min3A_570 = arith.minimumf %scan3A_54, %get3A_563 : vector<16xf32>
        %min3A_571 = arith.minimumf %scan3A_55, %get3A_565 : vector<16xf32>
        %sub3A_572 = arith.subf %min3A_570, %max3A_568 : vector<16xf32>
        %max3A_573 = arith.constant 0.000000e+00 : f32
        %max3A_574 = vector.broadcast %max3A_573 : f32 to vector<16xf32>
        %max3A_575 = arith.maximumf %sub3A_572, %max3A_574 : vector<16xf32>
        %sub3A_576 = arith.subf %min3A_571, %max3A_569 : vector<16xf32>
        %max3A_577 = arith.constant 0.000000e+00 : f32
        %max3A_578 = vector.broadcast %max3A_577 : f32 to vector<16xf32>
        %max3A_579 = arith.maximumf %sub3A_576, %max3A_578 : vector<16xf32>
        %mul3A_580 = arith.mulf %max3A_575, %max3A_579 : vector<16xf32>
        %add3A_581 = arith.addf %mul3A_64, %get3A_567 : vector<16xf32>
        %sub3A_582 = arith.subf %add3A_581, %mul3A_580 : vector<16xf32>
        %mul3A_583 = arith.constant 5.000000e-01 : f32
        %mul3A_584 = vector.broadcast %mul3A_583 : f32 to vector<16xf32>
        %mul3A_585 = arith.mulf %mul3A_584, %sub3A_582 : vector<16xf32>
        %sub3A_586 = arith.subf %mul3A_580, %mul3A_585 : vector<16xf32>
        %mul3A_587 = arith.constant 1.49011612E-8 : f32
        %mul3A_588 = vector.broadcast %mul3A_587 : f32 to vector<16xf32>
        %mul3A_589 = arith.mulf %sub3A_582, %mul3A_588 : vector<16xf32>
        %gt3A_590 = arith.cmpf ogt, %sub3A_586, %mul3A_589 : vector<16xf32>
        %add3A_591 = arith.addi %mul3A_32, %mul3A_555 : i32
        %add3A_592 = vector.broadcast %add3A_591 : i32 to vector<16xi32>
        %add3A_593 = arith.addi %iota3A, %add3A_592 : vector<16xi32>
        %gt3A_594 = arith.constant 0.000000e+00 : f32
        %gt3A_595 = vector.broadcast %gt3A_594 : f32 to vector<16xf32>
        %gt3A_596 = arith.cmpf ogt, %sub3A_582, %gt3A_595 : vector<16xf32>
        %and3A_597 = arith.andi %gt3A_596, %gt3A_590 : vector<16xi1>
        %eq3A_598 = arith.cmpi eq, %add3A_593, %scan3A_56 : vector<16xi32>
        %or3A_599 = arith.ori %and3A_597, %eq3A_598 : vector<16xi1>
        %jit3A_600 = arith.constant 0xFF800000 : f32
        %broadcast_in_dim3A_601 = vector.broadcast %jit3A_600 : f32 to vector<16xf32>
        %select_n3A_602 = arith.select %or3A_599, %broadcast_in_dim3A_601, %get3A_557 : vector<16xi1>, vector<16xf32>
        %swap3A_603 = arith.index_cast %mul3A_555 : i32 to index
        %swap3A_604 = tpu.vector_load %arg8[%swap3A_603] {strides = array<i32>} : memref<5120xf32, #tpu.memory_space<vmem>>, vector<16xf32>,
        tpu.vector_store %arg8[%swap3A_603], %select_n3A_602 {strides = array<i32>} : memref<5120xf32, #tpu.memory_space<vmem>>, vector<16xf32>,
        %gt3A_605 = arith.cmpf ogt, %select_n3A_602, %select_n3A_550 : vector<16xf32>
        %select_n3A_606 = arith.select %gt3A_605, %select_n3A_602, %select_n3A_550 : vector<16xi1>, vector<16xf32>
        %select_n3A_607 = arith.select %gt3A_605, %add3A_593, %select_n3A_551 : vector<16xi1>, vector<16xi32>
        scf.yield %select_n3A_606, %select_n3A_607 : vector<16xf32>, vector<16xi32>
      }
      %scan3A_73 = arith.constant 320 : i32
      %broadcast_in_dim3A_74 = arith.constant true
      %broadcast_in_dim3A_75 = vector.broadcast %broadcast_in_dim3A_74 : i1 to vector<16xi1>
      %masked_cummax3A = tpu.scan <max>, %scan3A_72#0 masked %broadcast_in_dim3A_75 : vector<16xf32>, vector<16xi1> -> vector<16xf32>
      %broadcast_in_dim3A_76 = arith.constant 15 : i32
      %broadcast_in_dim3A_77 = vector.broadcast %broadcast_in_dim3A_76 : i32 to vector<16xi32>
      %lt3A_78 = arith.constant 0 : i32
      %lt3A_79 = vector.broadcast %lt3A_78 : i32 to vector<16xi32>
      %lt3A_80 = arith.cmpi slt, %broadcast_in_dim3A_77, %lt3A_79 : vector<16xi32>
      %add3A_81 = arith.constant 16 : i32
      %add3A_82 = vector.broadcast %add3A_81 : i32 to vector<16xi32>
      %add3A_83 = arith.addi %broadcast_in_dim3A_77, %add3A_82 : vector<16xi32>
      %select_n3A_84 = arith.select %lt3A_80, %add3A_83, %broadcast_in_dim3A_77 : vector<16xi1>, vector<16xi32>
      %broadcast_in_dim3A_85 = vector.shape_cast %select_n3A_84 : vector<16xi32> to vector<16x1xi32>
      %gather3A = vector.shape_cast %broadcast_in_dim3A_85 : vector<16x1xi32> to vector<16xi32>
      %gather3A_86 = tpu.dynamic_gather %masked_cummax3A[%gather3A] in [0] : vector<16xf32>, vector<16xi32> -> vector<16xf32>
      %eq3A_87 = arith.cmpf oeq, %scan3A_72#0, %gather3A_86 : vector<16xf32>
      %jit3A_88 = arith.constant 1073741824 : i32
      %broadcast_in_dim3A_89 = vector.broadcast %jit3A_88 : i32 to vector<16xi32>
      %select_n3A_90 = arith.select %eq3A_87, %scan3A_72#1, %broadcast_in_dim3A_89 : vector<16xi1>, vector<16xi32>
      %neg3A = arith.constant 0 : i32
      %neg3A_91 = vector.broadcast %neg3A : i32 to vector<16xi32>
      %neg3A_92 = arith.subi %neg3A_91, %select_n3A_90 : vector<16xi32>
      %broadcast_in_dim3A_93 = arith.constant true
      %broadcast_in_dim3A_94 = vector.broadcast %broadcast_in_dim3A_93 : i1 to vector<16xi1>
      %masked_cummax3A_95 = arith.constant -2147483648 : i32
      %masked_cummax3A_96 = vector.broadcast %masked_cummax3A_95 : i32 to vector<16xi32>
      %masked_cummax3A_97 = arith.xori %neg3A_92, %masked_cummax3A_96 : vector<16xi32>
      %masked_cummax3A_98 = tpu.scan <max>, %masked_cummax3A_97 masked %broadcast_in_dim3A_94 : vector<16xi32>, vector<16xi1> -> vector<16xi32>
      %masked_cummax3A_99 = arith.xori %masked_cummax3A_98, %masked_cummax3A_96 : vector<16xi32>
      %broadcast_in_dim3A_100 = arith.constant 15 : i32
      %broadcast_in_dim3A_101 = vector.broadcast %broadcast_in_dim3A_100 : i32 to vector<16xi32>
      %lt3A_102 = arith.constant 0 : i32
      %lt3A_103 = vector.broadcast %lt3A_102 : i32 to vector<16xi32>
      %lt3A_104 = arith.cmpi slt, %broadcast_in_dim3A_101, %lt3A_103 : vector<16xi32>
      %add3A_105 = arith.constant 16 : i32
      %add3A_106 = vector.broadcast %add3A_105 : i32 to vector<16xi32>
      %add3A_107 = arith.addi %broadcast_in_dim3A_101, %add3A_106 : vector<16xi32>
      %select_n3A_108 = arith.select %lt3A_104, %add3A_107, %broadcast_in_dim3A_101 : vector<16xi1>, vector<16xi32>
      %broadcast_in_dim3A_109 = vector.shape_cast %select_n3A_108 : vector<16xi32> to vector<16x1xi32>
      %gather3A_110 = vector.shape_cast %broadcast_in_dim3A_109 : vector<16x1xi32> to vector<16xi32>
      %gather3A_111 = tpu.dynamic_gather %masked_cummax3A_99[%gather3A_110] in [0] : vector<16xi32>, vector<16xi32> -> vector<16xi32>
      %neg3A_112 = arith.constant 0 : i32
      %neg3A_113 = vector.broadcast %neg3A_112 : i32 to vector<16xi32>
      %neg3A_114 = arith.subi %neg3A_113, %gather3A_111 : vector<16xi32>
      %sub3A_115 = vector.broadcast %mul3A_32 : i32 to vector<16xi32>
      %sub3A_116 = arith.subi %neg3A_114, %sub3A_115 : vector<16xi32>
      %eq3A_117 = arith.constant 0 : i32
      %eq3A_118 = vector.broadcast %eq3A_117 : i32 to vector<16xi32>
      %eq3A_119 = arith.cmpi eq, %iota3A, %eq3A_118 : vector<16xi32>
      %bitcast_convert_type3A = tpu.bitcast %gather3A_86 : vector<16xf32> -> vector<16xi32>
      %select_n3A_120 = arith.select %eq3A_119, %bitcast_convert_type3A, %neg3A_114 : vector<16xi1>, vector<16xi32>
      %eq3A_121 = arith.constant 2 : i32
      %eq3A_122 = vector.broadcast %eq3A_121 : i32 to vector<16xi32>
      %eq3A_123 = arith.cmpi eq, %iota3A, %eq3A_122 : vector<16xi32>
      %gather3A_124 = tpu.vector_load_idx %arg9[%sub3A_116] : memref<5120xf32, #tpu.memory_space<vmem>>[vector<16xi32>], vector<16xf32>,
      %bitcast_convert_type3A_125 = tpu.bitcast %gather3A_124 : vector<16xf32> -> vector<16xi32>
      %select_n3A_126 = arith.select %eq3A_123, %bitcast_convert_type3A_125, %select_n3A_120 : vector<16xi1>, vector<16xi32>
      %eq3A_127 = arith.constant 3 : i32
      %eq3A_128 = vector.broadcast %eq3A_127 : i32 to vector<16xi32>
      %eq3A_129 = arith.cmpi eq, %iota3A, %eq3A_128 : vector<16xi32>
      %gather3A_130 = tpu.vector_load_idx %arg10[%sub3A_116] : memref<5120xf32, #tpu.memory_space<vmem>>[vector<16xi32>], vector<16xf32>,
      %bitcast_convert_type3A_131 = tpu.bitcast %gather3A_130 : vector<16xf32> -> vector<16xi32>
      %select_n3A_132 = arith.select %eq3A_129, %bitcast_convert_type3A_131, %select_n3A_126 : vector<16xi1>, vector<16xi32>
      %eq3A_133 = arith.constant 4 : i32
      %eq3A_134 = vector.broadcast %eq3A_133 : i32 to vector<16xi32>
      %eq3A_135 = arith.cmpi eq, %iota3A, %eq3A_134 : vector<16xi32>
      %gather3A_136 = tpu.vector_load_idx %arg11[%sub3A_116] : memref<5120xf32, #tpu.memory_space<vmem>>[vector<16xi32>], vector<16xf32>,
      %bitcast_convert_type3A_137 = tpu.bitcast %gather3A_136 : vector<16xf32> -> vector<16xi32>
      %select_n3A_138 = arith.select %eq3A_135, %bitcast_convert_type3A_137, %select_n3A_132 : vector<16xi1>, vector<16xi32>
      %eq3A_139 = arith.constant 5 : i32
      %eq3A_140 = vector.broadcast %eq3A_139 : i32 to vector<16xi32>
      %eq3A_141 = arith.cmpi eq, %iota3A, %eq3A_140 : vector<16xi32>
      %gather3A_142 = tpu.vector_load_idx %arg12[%sub3A_116] : memref<5120xf32, #tpu.memory_space<vmem>>[vector<16xi32>], vector<16xf32>,
      %bitcast_convert_type3A_143 = tpu.bitcast %gather3A_142 : vector<16xf32> -> vector<16xi32>
      %select_n3A_144 = arith.select %eq3A_141, %bitcast_convert_type3A_143, %select_n3A_138 : vector<16xi1>, vector<16xi32>
      %eq3A_145 = arith.constant 1 : i32
      %eq3A_146 = vector.broadcast %eq3A_145 : i32 to vector<16xi32>
      %eq3A_147 = arith.cmpi eq, %iota3A, %eq3A_146 : vector<16xi32>
      %select_n3A_148 = arith.select %eq3A_147, %neg3A_114, %select_n3A_144 : vector<16xi1>, vector<16xi32>
      %swap3A = arith.constant 0 : index
      %swap3A_149 = tpu.vector_load %arg14[%swap3A] {strides = array<i32>} : memref<16xi32, #tpu.memory_space<vmem>>, vector<16xi32>,
      tpu.vector_store %arg14[%swap3A], %select_n3A_148 {strides = array<i32>} : memref<16xi32, #tpu.memory_space<vmem>>, vector<16xi32>,
      %mul3A_150 = arith.constant 16 : i32
      %mul3A_151 = arith.muli %arg1, %mul3A_150 : i32
      %run_scoped3A = arith.constant 0 : i32
      "tpu.region"() ({
        %run_scoped3A_384 = tpu.sem_alloc : memref<!tpu.dma_semaphore, #tpu.memory_space<semaphore_mem>>
        %dma_start3A = tpu.memref_slice %arg17[%run_scoped3A, %mul3A_151] : memref<2x256xi32, #tpu.memory_space<vmem_shared>> -> memref<1x16xi32, #tpu.memory_space<vmem_shared>>
        %dma_start3A_385 = tpu.memref_squeeze %dma_start3A : memref<1x16xi32, #tpu.memory_space<vmem_shared>> -> memref<16xi32, #tpu.memory_space<vmem_shared>>
        %dma_start3A_386 = tpu.memref_slice %arg17[%run_scoped3A, %mul3A_151] : memref<2x256xi32, #tpu.memory_space<vmem_shared>> -> memref<1x16xi32, #tpu.memory_space<vmem_shared>>
        %dma_start3A_387 = tpu.memref_squeeze %dma_start3A_386 : memref<1x16xi32, #tpu.memory_space<vmem_shared>> -> memref<16xi32, #tpu.memory_space<vmem_shared>>
        tpu.enqueue_dma source(%arg14 : memref<16xi32, #tpu.memory_space<vmem>>) target(%dma_start3A_387 : memref<16xi32, #tpu.memory_space<vmem_shared>>) target_semaphore(%run_scoped3A_384 : memref<!tpu.dma_semaphore, #tpu.memory_space<semaphore_mem>>)
        %dma_wait3A = tpu.memref_slice %arg17[%run_scoped3A, %mul3A_151] : memref<2x256xi32, #tpu.memory_space<vmem_shared>> -> memref<1x16xi32, #tpu.memory_space<vmem_shared>>
        %dma_wait3A_388 = tpu.memref_squeeze %dma_wait3A : memref<1x16xi32, #tpu.memory_space<vmem_shared>> -> memref<16xi32, #tpu.memory_space<vmem_shared>>
        %dma_wait3A_389 = tpu.memref_slice %arg17[%run_scoped3A, %mul3A_151] : memref<2x256xi32, #tpu.memory_space<vmem_shared>> -> memref<1x16xi32, #tpu.memory_space<vmem_shared>>
        %dma_wait3A_390 = tpu.memref_squeeze %dma_wait3A_389 : memref<1x16xi32, #tpu.memory_space<vmem_shared>> -> memref<16xi32, #tpu.memory_space<vmem_shared>>
        tpu.wait_dma2 semaphore(%run_scoped3A_384 : memref<!tpu.dma_semaphore, #tpu.memory_space<semaphore_mem>>) src(%arg14 : memref<16xi32, #tpu.memory_space<vmem>>) dst(%dma_wait3A_390 : memref<16xi32, #tpu.memory_space<vmem_shared>>)
        tpu.yield
      }) : () -> ()
      %barrier3A = arith.constant 0 : index
      tpu.barrier barrier_id(%barrier3A)
      %jit3A_152 = arith.constant 4 : i32
      %div3A_153 = arith.divsi %arg1, %jit3A_152 : i32
      %sign3A_154 = arith.constant 0 : i32
      %sign3A_155 = arith.cmpi sgt, %arg1, %sign3A_154 : i32
      %sign3A_156 = arith.extui %sign3A_155 : i1 to i32
      %sign3A_157 = arith.constant 0 : i32
      %sign3A_158 = arith.cmpi slt, %arg1, %sign3A_157 : i32
      %sign3A_159 = arith.extui %sign3A_158 : i1 to i32
      %sign3A_160 = arith.subi %sign3A_156, %sign3A_159 : i32
      %sign3A_161 = arith.constant 0 : i32
      %sign3A_162 = arith.cmpi sgt, %jit3A_152, %sign3A_161 : i32
      %sign3A_163 = arith.extui %sign3A_162 : i1 to i32
      %sign3A_164 = arith.constant 0 : i32
      %sign3A_165 = arith.cmpi slt, %jit3A_152, %sign3A_164 : i32
      %sign3A_166 = arith.extui %sign3A_165 : i1 to i32
      %sign3A_167 = arith.subi %sign3A_163, %sign3A_166 : i32
      %ne3A_168 = arith.cmpi ne, %sign3A_160, %sign3A_167 : i32
      %rem3A_169 = arith.remsi %arg1, %jit3A_152 : i32
      %ne3A_170 = arith.constant 0 : i32
      %ne3A_171 = arith.cmpi ne, %rem3A_169, %ne3A_170 : i32
      %and3A_172 = arith.andi %ne3A_168, %ne3A_171 : i1
      %sub3A_173 = arith.constant 1 : i32
      %sub3A_174 = arith.subi %div3A_153, %sub3A_173 : i32
      %select_n3A_175 = arith.select %and3A_172, %sub3A_174, %div3A_153 : i32
      %mul3A_176 = arith.constant 4 : i32
      %mul3A_177 = arith.muli %select_n3A_175, %mul3A_176 : i32
      %mul3A_178 = arith.constant 16 : i32
      %mul3A_179 = arith.muli %mul3A_177, %mul3A_178 : i32
      %run_scoped3A_180 = arith.constant 0 : i32
      "tpu.region"() ({
        %run_scoped3A_384 = tpu.sem_alloc : memref<!tpu.dma_semaphore, #tpu.memory_space<semaphore_mem>>
        %dma_start3A = tpu.memref_slice %arg17[%run_scoped3A_180, %mul3A_179] : memref<2x256xi32, #tpu.memory_space<vmem_shared>> -> memref<1x64xi32, #tpu.memory_space<vmem_shared>>
        %dma_start3A_385 = tpu.memref_squeeze %dma_start3A : memref<1x64xi32, #tpu.memory_space<vmem_shared>> -> memref<64xi32, #tpu.memory_space<vmem_shared>>
        %dma_start3A_386 = tpu.memref_slice %arg17[%run_scoped3A_180, %mul3A_179] : memref<2x256xi32, #tpu.memory_space<vmem_shared>> -> memref<1x64xi32, #tpu.memory_space<vmem_shared>>
        %dma_start3A_387 = tpu.memref_squeeze %dma_start3A_386 : memref<1x64xi32, #tpu.memory_space<vmem_shared>> -> memref<64xi32, #tpu.memory_space<vmem_shared>>
        tpu.enqueue_dma source(%dma_start3A_387 : memref<64xi32, #tpu.memory_space<vmem_shared>>) target(%arg15 : memref<64xi32, #tpu.memory_space<vmem>>) target_semaphore(%run_scoped3A_384 : memref<!tpu.dma_semaphore, #tpu.memory_space<semaphore_mem>>)
        %dma_wait3A = tpu.memref_slice %arg17[%run_scoped3A_180, %mul3A_179] : memref<2x256xi32, #tpu.memory_space<vmem_shared>> -> memref<1x64xi32, #tpu.memory_space<vmem_shared>>
        %dma_wait3A_388 = tpu.memref_squeeze %dma_wait3A : memref<1x64xi32, #tpu.memory_space<vmem_shared>> -> memref<64xi32, #tpu.memory_space<vmem_shared>>
        %dma_wait3A_389 = tpu.memref_slice %arg17[%run_scoped3A_180, %mul3A_179] : memref<2x256xi32, #tpu.memory_space<vmem_shared>> -> memref<1x64xi32, #tpu.memory_space<vmem_shared>>
        %dma_wait3A_390 = tpu.memref_squeeze %dma_wait3A_389 : memref<1x64xi32, #tpu.memory_space<vmem_shared>> -> memref<64xi32, #tpu.memory_space<vmem_shared>>
        tpu.wait_dma2 semaphore(%run_scoped3A_384 : memref<!tpu.dma_semaphore, #tpu.memory_space<semaphore_mem>>) src(%dma_wait3A_390 : memref<64xi32, #tpu.memory_space<vmem_shared>>) dst(%arg15 : memref<64xi32, #tpu.memory_space<vmem>>)
        tpu.yield
      }) : () -> ()
      %barrier3A_181 = arith.constant 0 : index
      tpu.barrier barrier_id(%barrier3A_181)
      %broadcast_in_dim3A_182 = arith.constant 0 : i32
      %broadcast_in_dim3A_183 = vector.broadcast %broadcast_in_dim3A_182 : i32 to vector<16xi32>
      %broadcast_in_dim3A_184 = arith.constant 1 : i32
      %broadcast_in_dim3A_185 = vector.broadcast %broadcast_in_dim3A_184 : i32 to vector<16xi32>
      %get3A = arith.constant 0 : index
      %get3A_186 = tpu.vector_load %arg15[%get3A] {strides = array<i32>} : memref<64xi32, #tpu.memory_space<vmem>>, vector<16xi32>,
      %lt3A_187 = arith.constant 0 : i32
      %lt3A_188 = vector.broadcast %lt3A_187 : i32 to vector<16xi32>
      %lt3A_189 = arith.cmpi slt, %broadcast_in_dim3A_183, %lt3A_188 : vector<16xi32>
      %add3A_190 = arith.constant 16 : i32
      %add3A_191 = vector.broadcast %add3A_190 : i32 to vector<16xi32>
      %add3A_192 = arith.addi %broadcast_in_dim3A_183, %add3A_191 : vector<16xi32>
      %select_n3A_193 = arith.select %lt3A_189, %add3A_192, %broadcast_in_dim3A_183 : vector<16xi1>, vector<16xi32>
      %broadcast_in_dim3A_194 = vector.shape_cast %select_n3A_193 : vector<16xi32> to vector<16x1xi32>
      %gather3A_195 = vector.shape_cast %broadcast_in_dim3A_194 : vector<16x1xi32> to vector<16xi32>
      %gather3A_196 = tpu.dynamic_gather %get3A_186[%gather3A_195] in [0] : vector<16xi32>, vector<16xi32> -> vector<16xi32>
      %bitcast_convert_type3A_197 = tpu.bitcast %gather3A_196 : vector<16xi32> -> vector<16xf32>
      %lt3A_198 = arith.constant 0 : i32
      %lt3A_199 = vector.broadcast %lt3A_198 : i32 to vector<16xi32>
      %lt3A_200 = arith.cmpi slt, %broadcast_in_dim3A_185, %lt3A_199 : vector<16xi32>
      %add3A_201 = arith.constant 16 : i32
      %add3A_202 = vector.broadcast %add3A_201 : i32 to vector<16xi32>
      %add3A_203 = arith.addi %broadcast_in_dim3A_185, %add3A_202 : vector<16xi32>
      %select_n3A_204 = arith.select %lt3A_200, %add3A_203, %broadcast_in_dim3A_185 : vector<16xi1>, vector<16xi32>
      %broadcast_in_dim3A_205 = vector.shape_cast %select_n3A_204 : vector<16xi32> to vector<16x1xi32>
      %gather3A_206 = vector.shape_cast %broadcast_in_dim3A_205 : vector<16x1xi32> to vector<16xi32>
      %gather3A_207 = tpu.dynamic_gather %get3A_186[%gather3A_206] in [0] : vector<16xi32>, vector<16xi32> -> vector<16xi32>
      %get3A_208 = arith.constant 16 : index
      %get3A_209 = tpu.vector_load %arg15[%get3A_208] {strides = array<i32>} : memref<64xi32, #tpu.memory_space<vmem>>, vector<16xi32>,
      %lt3A_210 = arith.constant 0 : i32
      %lt3A_211 = vector.broadcast %lt3A_210 : i32 to vector<16xi32>
      %lt3A_212 = arith.cmpi slt, %broadcast_in_dim3A_183, %lt3A_211 : vector<16xi32>
      %add3A_213 = arith.constant 16 : i32
      %add3A_214 = vector.broadcast %add3A_213 : i32 to vector<16xi32>
      %add3A_215 = arith.addi %broadcast_in_dim3A_183, %add3A_214 : vector<16xi32>
      %select_n3A_216 = arith.select %lt3A_212, %add3A_215, %broadcast_in_dim3A_183 : vector<16xi1>, vector<16xi32>
      %broadcast_in_dim3A_217 = vector.shape_cast %select_n3A_216 : vector<16xi32> to vector<16x1xi32>
      %gather3A_218 = vector.shape_cast %broadcast_in_dim3A_217 : vector<16x1xi32> to vector<16xi32>
      %gather3A_219 = tpu.dynamic_gather %get3A_209[%gather3A_218] in [0] : vector<16xi32>, vector<16xi32> -> vector<16xi32>
      %bitcast_convert_type3A_220 = tpu.bitcast %gather3A_219 : vector<16xi32> -> vector<16xf32>
      %lt3A_221 = arith.constant 0 : i32
      %lt3A_222 = vector.broadcast %lt3A_221 : i32 to vector<16xi32>
      %lt3A_223 = arith.cmpi slt, %broadcast_in_dim3A_185, %lt3A_222 : vector<16xi32>
      %add3A_224 = arith.constant 16 : i32
      %add3A_225 = vector.broadcast %add3A_224 : i32 to vector<16xi32>
      %add3A_226 = arith.addi %broadcast_in_dim3A_185, %add3A_225 : vector<16xi32>
      %select_n3A_227 = arith.select %lt3A_223, %add3A_226, %broadcast_in_dim3A_185 : vector<16xi1>, vector<16xi32>
      %broadcast_in_dim3A_228 = vector.shape_cast %select_n3A_227 : vector<16xi32> to vector<16x1xi32>
      %gather3A_229 = vector.shape_cast %broadcast_in_dim3A_228 : vector<16x1xi32> to vector<16xi32>
      %gather3A_230 = tpu.dynamic_gather %get3A_209[%gather3A_229] in [0] : vector<16xi32>, vector<16xi32> -> vector<16xi32>
      %gt3A = arith.cmpf ogt, %bitcast_convert_type3A_220, %bitcast_convert_type3A_197 : vector<16xf32>
      %eq3A_231 = arith.cmpf oeq, %bitcast_convert_type3A_220, %bitcast_convert_type3A_197 : vector<16xf32>
      %lt3A_232 = arith.cmpi slt, %gather3A_230, %gather3A_207 : vector<16xi32>
      %and3A_233 = arith.andi %eq3A_231, %lt3A_232 : vector<16xi1>
      %or3A = arith.ori %gt3A, %and3A_233 : vector<16xi1>
      %select_n3A_234 = arith.select %or3A, %bitcast_convert_type3A_220, %bitcast_convert_type3A_197 : vector<16xi1>, vector<16xf32>
      %select_n3A_235 = arith.select %or3A, %gather3A_230, %gather3A_207 : vector<16xi1>, vector<16xi32>
      %select_n3A_236 = arith.select %or3A, %get3A_209, %get3A_186 : vector<16xi1>, vector<16xi32>
      %get3A_237 = arith.constant 32 : index
      %get3A_238 = tpu.vector_load %arg15[%get3A_237] {strides = array<i32>} : memref<64xi32, #tpu.memory_space<vmem>>, vector<16xi32>,
      %lt3A_239 = arith.constant 0 : i32
      %lt3A_240 = vector.broadcast %lt3A_239 : i32 to vector<16xi32>
      %lt3A_241 = arith.cmpi slt, %broadcast_in_dim3A_183, %lt3A_240 : vector<16xi32>
      %add3A_242 = arith.constant 16 : i32
      %add3A_243 = vector.broadcast %add3A_242 : i32 to vector<16xi32>
      %add3A_244 = arith.addi %broadcast_in_dim3A_183, %add3A_243 : vector<16xi32>
      %select_n3A_245 = arith.select %lt3A_241, %add3A_244, %broadcast_in_dim3A_183 : vector<16xi1>, vector<16xi32>
      %broadcast_in_dim3A_246 = vector.shape_cast %select_n3A_245 : vector<16xi32> to vector<16x1xi32>
      %gather3A_247 = vector.shape_cast %broadcast_in_dim3A_246 : vector<16x1xi32> to vector<16xi32>
      %gather3A_248 = tpu.dynamic_gather %get3A_238[%gather3A_247] in [0] : vector<16xi32>, vector<16xi32> -> vector<16xi32>
      %bitcast_convert_type3A_249 = tpu.bitcast %gather3A_248 : vector<16xi32> -> vector<16xf32>
      %lt3A_250 = arith.constant 0 : i32
      %lt3A_251 = vector.broadcast %lt3A_250 : i32 to vector<16xi32>
      %lt3A_252 = arith.cmpi slt, %broadcast_in_dim3A_185, %lt3A_251 : vector<16xi32>
      %add3A_253 = arith.constant 16 : i32
      %add3A_254 = vector.broadcast %add3A_253 : i32 to vector<16xi32>
      %add3A_255 = arith.addi %broadcast_in_dim3A_185, %add3A_254 : vector<16xi32>
      %select_n3A_256 = arith.select %lt3A_252, %add3A_255, %broadcast_in_dim3A_185 : vector<16xi1>, vector<16xi32>
      %broadcast_in_dim3A_257 = vector.shape_cast %select_n3A_256 : vector<16xi32> to vector<16x1xi32>
      %gather3A_258 = vector.shape_cast %broadcast_in_dim3A_257 : vector<16x1xi32> to vector<16xi32>
      %gather3A_259 = tpu.dynamic_gather %get3A_238[%gather3A_258] in [0] : vector<16xi32>, vector<16xi32> -> vector<16xi32>
      %gt3A_260 = arith.cmpf ogt, %bitcast_convert_type3A_249, %select_n3A_234 : vector<16xf32>
      %eq3A_261 = arith.cmpf oeq, %bitcast_convert_type3A_249, %select_n3A_234 : vector<16xf32>
      %lt3A_262 = arith.cmpi slt, %gather3A_259, %select_n3A_235 : vector<16xi32>
      %and3A_263 = arith.andi %eq3A_261, %lt3A_262 : vector<16xi1>
      %or3A_264 = arith.ori %gt3A_260, %and3A_263 : vector<16xi1>
      %select_n3A_265 = arith.select %or3A_264, %bitcast_convert_type3A_249, %select_n3A_234 : vector<16xi1>, vector<16xf32>
      %select_n3A_266 = arith.select %or3A_264, %gather3A_259, %select_n3A_235 : vector<16xi1>, vector<16xi32>
      %select_n3A_267 = arith.select %or3A_264, %get3A_238, %select_n3A_236 : vector<16xi1>, vector<16xi32>
      %get3A_268 = arith.constant 48 : index
      %get3A_269 = tpu.vector_load %arg15[%get3A_268] {strides = array<i32>} : memref<64xi32, #tpu.memory_space<vmem>>, vector<16xi32>,
      %lt3A_270 = arith.constant 0 : i32
      %lt3A_271 = vector.broadcast %lt3A_270 : i32 to vector<16xi32>
      %lt3A_272 = arith.cmpi slt, %broadcast_in_dim3A_183, %lt3A_271 : vector<16xi32>
      %add3A_273 = arith.constant 16 : i32
      %add3A_274 = vector.broadcast %add3A_273 : i32 to vector<16xi32>
      %add3A_275 = arith.addi %broadcast_in_dim3A_183, %add3A_274 : vector<16xi32>
      %select_n3A_276 = arith.select %lt3A_272, %add3A_275, %broadcast_in_dim3A_183 : vector<16xi1>, vector<16xi32>
      %broadcast_in_dim3A_277 = vector.shape_cast %select_n3A_276 : vector<16xi32> to vector<16x1xi32>
      %gather3A_278 = vector.shape_cast %broadcast_in_dim3A_277 : vector<16x1xi32> to vector<16xi32>
      %gather3A_279 = tpu.dynamic_gather %get3A_269[%gather3A_278] in [0] : vector<16xi32>, vector<16xi32> -> vector<16xi32>
      %bitcast_convert_type3A_280 = tpu.bitcast %gather3A_279 : vector<16xi32> -> vector<16xf32>
      %lt3A_281 = arith.constant 0 : i32
      %lt3A_282 = vector.broadcast %lt3A_281 : i32 to vector<16xi32>
      %lt3A_283 = arith.cmpi slt, %broadcast_in_dim3A_185, %lt3A_282 : vector<16xi32>
      %add3A_284 = arith.constant 16 : i32
      %add3A_285 = vector.broadcast %add3A_284 : i32 to vector<16xi32>
      %add3A_286 = arith.addi %broadcast_in_dim3A_185, %add3A_285 : vector<16xi32>
      %select_n3A_287 = arith.select %lt3A_283, %add3A_286, %broadcast_in_dim3A_185 : vector<16xi1>, vector<16xi32>
      %broadcast_in_dim3A_288 = vector.shape_cast %select_n3A_287 : vector<16xi32> to vector<16x1xi32>
      %gather3A_289 = vector.shape_cast %broadcast_in_dim3A_288 : vector<16x1xi32> to vector<16xi32>
      %gather3A_290 = tpu.dynamic_gather %get3A_269[%gather3A_289] in [0] : vector<16xi32>, vector<16xi32> -> vector<16xi32>
      %gt3A_291 = arith.cmpf ogt, %bitcast_convert_type3A_280, %select_n3A_265 : vector<16xf32>
      %eq3A_292 = arith.cmpf oeq, %bitcast_convert_type3A_280, %select_n3A_265 : vector<16xf32>
      %lt3A_293 = arith.cmpi slt, %gather3A_290, %select_n3A_266 : vector<16xi32>
      %and3A_294 = arith.andi %eq3A_292, %lt3A_293 : vector<16xi1>
      %or3A_295 = arith.ori %gt3A_291, %and3A_294 : vector<16xi1>
      %select_n3A_296 = arith.select %or3A_295, %bitcast_convert_type3A_280, %select_n3A_265 : vector<16xi1>, vector<16xf32>
      %select_n3A_297 = arith.select %or3A_295, %gather3A_290, %select_n3A_266 : vector<16xi1>, vector<16xi32>
      %select_n3A_298 = arith.select %or3A_295, %get3A_269, %select_n3A_267 : vector<16xi1>, vector<16xi32>
      %broadcast_in_dim3A_299 = arith.constant 0 : i32
      %broadcast_in_dim3A_300 = vector.broadcast %broadcast_in_dim3A_299 : i32 to vector<16xi32>
      %lt3A_301 = arith.constant 0 : i32
      %lt3A_302 = vector.broadcast %lt3A_301 : i32 to vector<16xi32>
      %lt3A_303 = arith.cmpi slt, %broadcast_in_dim3A_300, %lt3A_302 : vector<16xi32>
      %add3A_304 = arith.constant 16 : i32
      %add3A_305 = vector.broadcast %add3A_304 : i32 to vector<16xi32>
      %add3A_306 = arith.addi %broadcast_in_dim3A_300, %add3A_305 : vector<16xi32>
      %select_n3A_307 = arith.select %lt3A_303, %add3A_306, %broadcast_in_dim3A_300 : vector<16xi1>, vector<16xi32>
      %broadcast_in_dim3A_308 = vector.shape_cast %select_n3A_307 : vector<16xi32> to vector<16x1xi32>
      %gather3A_309 = vector.shape_cast %broadcast_in_dim3A_308 : vector<16x1xi32> to vector<16xi32>
      %gather3A_310 = tpu.dynamic_gather %select_n3A_298[%gather3A_309] in [0] : vector<16xi32>, vector<16xi32> -> vector<16xi32>
      %bitcast_convert_type3A_311 = tpu.bitcast %gather3A_310 : vector<16xi32> -> vector<16xf32>
      %gt3A_312 = arith.constant 0xFF800000 : f32
      %gt3A_313 = vector.broadcast %gt3A_312 : f32 to vector<16xf32>
      %gt3A_314 = arith.cmpf ogt, %bitcast_convert_type3A_311, %gt3A_313 : vector<16xf32>
      %broadcast_in_dim3A_315 = arith.constant 1 : i32
      %broadcast_in_dim3A_316 = vector.broadcast %broadcast_in_dim3A_315 : i32 to vector<16xi32>
      %lt3A_317 = arith.constant 0 : i32
      %lt3A_318 = vector.broadcast %lt3A_317 : i32 to vector<16xi32>
      %lt3A_319 = arith.cmpi slt, %broadcast_in_dim3A_316, %lt3A_318 : vector<16xi32>
      %add3A_320 = arith.constant 16 : i32
      %add3A_321 = vector.broadcast %add3A_320 : i32 to vector<16xi32>
      %add3A_322 = arith.addi %broadcast_in_dim3A_316, %add3A_321 : vector<16xi32>
      %select_n3A_323 = arith.select %lt3A_319, %add3A_322, %broadcast_in_dim3A_316 : vector<16xi1>, vector<16xi32>
      %broadcast_in_dim3A_324 = vector.shape_cast %select_n3A_323 : vector<16xi32> to vector<16x1xi32>
      %gather3A_325 = vector.shape_cast %broadcast_in_dim3A_324 : vector<16x1xi32> to vector<16xi32>
      %gather3A_326 = tpu.dynamic_gather %select_n3A_298[%gather3A_325] in [0] : vector<16xi32>, vector<16xi32> -> vector<16xi32>
      %broadcast_in_dim3A_327 = arith.constant 2 : i32
      %broadcast_in_dim3A_328 = vector.broadcast %broadcast_in_dim3A_327 : i32 to vector<16xi32>
      %lt3A_329 = arith.constant 0 : i32
      %lt3A_330 = vector.broadcast %lt3A_329 : i32 to vector<16xi32>
      %lt3A_331 = arith.cmpi slt, %broadcast_in_dim3A_328, %lt3A_330 : vector<16xi32>
      %add3A_332 = arith.constant 16 : i32
      %add3A_333 = vector.broadcast %add3A_332 : i32 to vector<16xi32>
      %add3A_334 = arith.addi %broadcast_in_dim3A_328, %add3A_333 : vector<16xi32>
      %select_n3A_335 = arith.select %lt3A_331, %add3A_334, %broadcast_in_dim3A_328 : vector<16xi1>, vector<16xi32>
      %broadcast_in_dim3A_336 = vector.shape_cast %select_n3A_335 : vector<16xi32> to vector<16x1xi32>
      %gather3A_337 = vector.shape_cast %broadcast_in_dim3A_336 : vector<16x1xi32> to vector<16xi32>
      %gather3A_338 = tpu.dynamic_gather %select_n3A_298[%gather3A_337] in [0] : vector<16xi32>, vector<16xi32> -> vector<16xi32>
      %bitcast_convert_type3A_339 = tpu.bitcast %gather3A_338 : vector<16xi32> -> vector<16xf32>
      %broadcast_in_dim3A_340 = arith.constant 3 : i32
      %broadcast_in_dim3A_341 = vector.broadcast %broadcast_in_dim3A_340 : i32 to vector<16xi32>
      %lt3A_342 = arith.constant 0 : i32
      %lt3A_343 = vector.broadcast %lt3A_342 : i32 to vector<16xi32>
      %lt3A_344 = arith.cmpi slt, %broadcast_in_dim3A_341, %lt3A_343 : vector<16xi32>
      %add3A_345 = arith.constant 16 : i32
      %add3A_346 = vector.broadcast %add3A_345 : i32 to vector<16xi32>
      %add3A_347 = arith.addi %broadcast_in_dim3A_341, %add3A_346 : vector<16xi32>
      %select_n3A_348 = arith.select %lt3A_344, %add3A_347, %broadcast_in_dim3A_341 : vector<16xi1>, vector<16xi32>
      %broadcast_in_dim3A_349 = vector.shape_cast %select_n3A_348 : vector<16xi32> to vector<16x1xi32>
      %gather3A_350 = vector.shape_cast %broadcast_in_dim3A_349 : vector<16x1xi32> to vector<16xi32>
      %gather3A_351 = tpu.dynamic_gather %select_n3A_298[%gather3A_350] in [0] : vector<16xi32>, vector<16xi32> -> vector<16xi32>
      %bitcast_convert_type3A_352 = tpu.bitcast %gather3A_351 : vector<16xi32> -> vector<16xf32>
      %broadcast_in_dim3A_353 = arith.constant 4 : i32
      %broadcast_in_dim3A_354 = vector.broadcast %broadcast_in_dim3A_353 : i32 to vector<16xi32>
      %lt3A_355 = arith.constant 0 : i32
      %lt3A_356 = vector.broadcast %lt3A_355 : i32 to vector<16xi32>
      %lt3A_357 = arith.cmpi slt, %broadcast_in_dim3A_354, %lt3A_356 : vector<16xi32>
      %add3A_358 = arith.constant 16 : i32
      %add3A_359 = vector.broadcast %add3A_358 : i32 to vector<16xi32>
      %add3A_360 = arith.addi %broadcast_in_dim3A_354, %add3A_359 : vector<16xi32>
      %select_n3A_361 = arith.select %lt3A_357, %add3A_360, %broadcast_in_dim3A_354 : vector<16xi1>, vector<16xi32>
      %broadcast_in_dim3A_362 = vector.shape_cast %select_n3A_361 : vector<16xi32> to vector<16x1xi32>
      %gather3A_363 = vector.shape_cast %broadcast_in_dim3A_362 : vector<16x1xi32> to vector<16xi32>
      %gather3A_364 = tpu.dynamic_gather %select_n3A_298[%gather3A_363] in [0] : vector<16xi32>, vector<16xi32> -> vector<16xi32>
      %bitcast_convert_type3A_365 = tpu.bitcast %gather3A_364 : vector<16xi32> -> vector<16xf32>
      %broadcast_in_dim3A_366 = arith.constant 5 : i32
      %broadcast_in_dim3A_367 = vector.broadcast %broadcast_in_dim3A_366 : i32 to vector<16xi32>
      %lt3A_368 = arith.constant 0 : i32
      %lt3A_369 = vector.broadcast %lt3A_368 : i32 to vector<16xi32>
      %lt3A_370 = arith.cmpi slt, %broadcast_in_dim3A_367, %lt3A_369 : vector<16xi32>
      %add3A_371 = arith.constant 16 : i32
      %add3A_372 = vector.broadcast %add3A_371 : i32 to vector<16xi32>
      %add3A_373 = arith.addi %broadcast_in_dim3A_367, %add3A_372 : vector<16xi32>
      %select_n3A_374 = arith.select %lt3A_370, %add3A_373, %broadcast_in_dim3A_367 : vector<16xi1>, vector<16xi32>
      %broadcast_in_dim3A_375 = vector.shape_cast %select_n3A_374 : vector<16xi32> to vector<16x1xi32>
      %gather3A_376 = vector.shape_cast %broadcast_in_dim3A_375 : vector<16x1xi32> to vector<16xi32>
      %gather3A_377 = tpu.dynamic_gather %select_n3A_298[%gather3A_376] in [0] : vector<16xi32>, vector<16xi32> -> vector<16xi32>
      %bitcast_convert_type3A_378 = tpu.bitcast %gather3A_377 : vector<16xi32> -> vector<16xf32>
      %eq3A_379 = arith.constant 0 : i32
      %eq3A_380 = arith.cmpi eq, %select_n3A_30, %eq3A_379 : i32
      %convert_element_type3A_381 = arith.extui %eq3A_380 : i1 to i32
      %cond3A_382 = arith.constant 0 : i32
      %cond3A_383 = arith.cmpi ne, %convert_element_type3A_381, %cond3A_382 : i32
      scf.if %cond3A_383 {
        %add3A_384 = arith.constant 2 : i32
        %add3A_385 = vector.broadcast %add3A_384 : i32 to vector<16xi32>
        %add3A_386 = arith.addi %iota3A, %add3A_385 : vector<16xi32>
        %min3A = arith.constant 15 : i32
        %min3A_387 = vector.broadcast %min3A : i32 to vector<16xi32>
        %min3A_388 = arith.minsi %add3A_386, %min3A_387 : vector<16xi32>
        %lt3A_389 = arith.constant 0 : i32
        %lt3A_390 = vector.broadcast %lt3A_389 : i32 to vector<16xi32>
        %lt3A_391 = arith.cmpi slt, %min3A_388, %lt3A_390 : vector<16xi32>
        %add3A_392 = arith.constant 16 : i32
        %add3A_393 = vector.broadcast %add3A_392 : i32 to vector<16xi32>
        %add3A_394 = arith.addi %min3A_388, %add3A_393 : vector<16xi32>
        %select_n3A_395 = arith.select %lt3A_391, %add3A_394, %min3A_388 : vector<16xi1>, vector<16xi32>
        %broadcast_in_dim3A_396 = vector.shape_cast %select_n3A_395 : vector<16xi32> to vector<16x1xi32>
        %gather3A_397 = vector.shape_cast %broadcast_in_dim3A_396 : vector<16x1xi32> to vector<16xi32>
        %gather3A_398 = tpu.dynamic_gather %select_n3A_298[%gather3A_397] in [0] : vector<16xi32>, vector<16xi32> -> vector<16xi32>
        %bitcast_convert_type3A_399 = tpu.bitcast %gather3A_398 : vector<16xi32> -> vector<16xf32>
        %jit3A_400 = arith.constant -1.000000e+00 : f32
        %broadcast_in_dim3A_401 = vector.broadcast %jit3A_400 : f32 to vector<16xf32>
        %select_n3A_402 = arith.select %gt3A_314, %bitcast_convert_type3A_399, %broadcast_in_dim3A_401 : vector<16xi1>, vector<16xf32>
        %mul3A_403 = arith.constant 4 : i32
        %mul3A_404 = arith.muli %mul3A_403, %scan3A_51 : i32
        %add3A_405 = vector.broadcast %mul3A_404 : i32 to vector<16xi32>
        %add3A_406 = arith.addi %add3A_405, %iota3A : vector<16xi32>
        %lt3A_407 = arith.constant 4 : i32
        %lt3A_408 = vector.broadcast %lt3A_407 : i32 to vector<16xi32>
        %lt3A_409 = arith.cmpi slt, %iota3A, %lt3A_408 : vector<16xi32>
        tpu.vector_store_idx %arg16[%add3A_406], %select_n3A_402 masked %lt3A_409 : memref<1200xf32, #tpu.memory_space<vmem>>[vector<16xi32>], vector<16xf32>, vector<16xi1>
      } else {
      }
      scf.yield %bitcast_convert_type3A_339, %bitcast_convert_type3A_352, %bitcast_convert_type3A_365, %bitcast_convert_type3A_378, %gather3A_326 : vector<16xf32>, vector<16xf32>, vector<16xf32>, vector<16xf32>, vector<16xi32>
    }
    %scan3A_47 = arith.constant 300 : i32
    %eq3A_48 = arith.constant 0 : i32
    %eq3A_49 = arith.cmpi eq, %select_n3A_30, %eq3A_48 : i32
    %convert_element_type3A = arith.extui %eq3A_49 : i1 to i32
    %cond3A = arith.constant 0 : i32
    %cond3A_50 = arith.cmpi ne, %convert_element_type3A, %cond3A : i32
    scf.if %cond3A_50 {
      "tpu.region"() ({
        %run_scoped3A = tpu.sem_alloc : memref<!tpu.dma_semaphore, #tpu.memory_space<semaphore_mem>>
        %dma_start3A = arith.constant 0 : i32
        %dma_start3A_51 = tpu.memref_slice %arg7[%add3A, %dma_start3A] : memref<8x1200xf32, #tpu.memory_space<hbm>> -> memref<1x1200xf32, #tpu.memory_space<hbm>>
        %dma_start3A_52 = tpu.memref_squeeze %dma_start3A_51 : memref<1x1200xf32, #tpu.memory_space<hbm>> -> memref<1200xf32, #tpu.memory_space<hbm>>
        %dma_start3A_53 = arith.constant 0 : i32
        %dma_start3A_54 = tpu.memref_slice %arg7[%add3A, %dma_start3A_53] : memref<8x1200xf32, #tpu.memory_space<hbm>> -> memref<1x1200xf32, #tpu.memory_space<hbm>>
        %dma_start3A_55 = tpu.memref_squeeze %dma_start3A_54 : memref<1x1200xf32, #tpu.memory_space<hbm>> -> memref<1200xf32, #tpu.memory_space<hbm>>
        tpu.enqueue_dma source(%arg16 : memref<1200xf32, #tpu.memory_space<vmem>>) target(%dma_start3A_55 : memref<1200xf32, #tpu.memory_space<hbm>>) target_semaphore(%run_scoped3A : memref<!tpu.dma_semaphore, #tpu.memory_space<semaphore_mem>>)
        %dma_wait3A = arith.constant 0 : i32
        %dma_wait3A_56 = tpu.memref_slice %arg7[%add3A, %dma_wait3A] : memref<8x1200xf32, #tpu.memory_space<hbm>> -> memref<1x1200xf32, #tpu.memory_space<hbm>>
        %dma_wait3A_57 = tpu.memref_squeeze %dma_wait3A_56 : memref<1x1200xf32, #tpu.memory_space<hbm>> -> memref<1200xf32, #tpu.memory_space<hbm>>
        %dma_wait3A_58 = arith.constant 0 : i32
        %dma_wait3A_59 = tpu.memref_slice %arg7[%add3A, %dma_wait3A_58] : memref<8x1200xf32, #tpu.memory_space<hbm>> -> memref<1x1200xf32, #tpu.memory_space<hbm>>
        %dma_wait3A_60 = tpu.memref_squeeze %dma_wait3A_59 : memref<1x1200xf32, #tpu.memory_space<hbm>> -> memref<1200xf32, #tpu.memory_space<hbm>>
        tpu.wait_dma2 semaphore(%run_scoped3A : memref<!tpu.dma_semaphore, #tpu.memory_space<semaphore_mem>>) src(%arg16 : memref<1200xf32, #tpu.memory_space<vmem>>) dst(%dma_wait3A_60 : memref<1200xf32, #tpu.memory_space<hbm>>)
        tpu.yield
      }) : () -> ()
    } else {
    }
    return
  }
}

</mosaic_0001>

<sc_bundles>
// kernel: _nms_sc.3.cloned.1.call-start
scs
__scs_entry_jumppad:
0x0: {  	(pc) =	sbr.rel $0x88, $3  }
0x1: {  	(tag) =	ssettag $0x0;
	lr =	simm.s32 $0x1  }
0x2: {  	[smem:$0x3F9C] =	sst lr;
	_ =	strace $0xD0000000  }
0x3: {  	_ = 	snop  }
0x4: {  	_ = 	snop  }
0x5: {  	_ = 	snop  }
0x6: {  	_ = 	snop  }
0x7: {  	_ = 	snop  }
__scs_overlays_trampoline_lowered:
0x8: {  	[smem:$0x3FAB] =	sst s0  }
0x9: {  	[smem:$0x3FAC] =	sst s1  }
0xa: {  	[smem:$0x3FAD] =	sst s2  }
0xb: {  	[smem:$0x3FAE] =	sst s3  }
0xc: {  	[smem:$0x3FAF] =	sst s4  }
0xd: {  	[smem:$0x3FB0] =	sst s5  }
0xe: {  	[smem:$0x3FB1] =	sst s6  }
0xf: {  	[smem:$0x3FB2] =	sst s7  }
0x10: {  	[smem:$0x3FB3] =	sst s8  }
0x11: {  	[smem:$0x3FB4] =	sst s9;
	s0 =	simm.s32 @!p0 $0x0  }
0x12: {  	s1 =	sld [smem:$0x3F9A];
	s0 =	simm.s32 @p0 $0x1  }
0x13: {  	[smem:$0x3FB5] =	sst s0;
	s0 =	simm.s32 @!p1 $0x0  }
0x14: {  	s2 =	sld [smem:$0x3F99];
	s0 =	simm.s32 @p1 $0x1  }
0x15: {  	[smem:$0x3FB6] =	sst s0;
	s0 =	simm.s32 @!p2 $0x0  }
0x16: {  	s3 =	sld [smem:$0x3FDB];
	s0 =	simm.s32 @p2 $0x1  }
0x17: {  	s4 =	simm.s32 $0x1BF5;
	[smem:$0x3FB8] =	sst s0  }
0x18: {  	s0 =	sld [smem:$0x3F9B];
	_ =	swait.ge [sflag:s4], $0x0  }
0x19: {  	s7 =	sld [smem:$0x3F9C]  }
0x1a: {  	s8 =	sadd.s32 $0xFFFFE003, lr  }
0x1b: {  	s9 =	sadd.s32 $0xFFFFFEF7, lr;
	s5 =	simm.s32 $0xFFFFFFFF;
	p2 =	slt.u32 s8, $0xFFFFF086  }
0x1c: {  	p1 =	slt.u32 s9, $0xF7A;
	s5 =	simm.s32 @!p2 $0x0  }
0x1d: {  	s5 =	simm.s32 @p1 $0x1;
	p0 =	seq.s32 s7, s2  }
0x1e: {  	s7 =	smul.u32 @!p0 $0xF7A, s2;
	p2 =	seq.s32 @!p0 s5, $0x0  }
0x1f: {  	s9 =	smul.u32 $0xF7A, s1;
	s8 =	simm.s32 @!p0 $0x1BF5;
	p2 =	por !p2, p0  }
0x20: {  	[sflag:s8] =	ssyncset.s32 @!p0 $0xFFFFF086;
	s6 =	sadd.s32 @!p0 s3, s7;
	s7 =	simm.s32 @!p0 $0x108  }
0x21: {  	s3 =	sadd.s32 s3, s9;
	s6 =	sadd.s32 @!p0 $0x88, s6;
	s7 =	simm.s32 @p2 $0x1082  }
0x22: {  	[simem:s7], [sflag:s8] =	dma.local @!p0 [hbm:s6], $0xF7A  }
0x23: {  	s9 =	sor.u32 $0xD0000000, s2;
	s6 =	simm.s32 $0x108;
	_ =	swait.ge @!p0 [sflag:s8], $0x0  }
0x24: {  	s3 =	sadd.s32 $0x88, s3;
	s6 =	simm.s32 @!p1 $0x1082;
	[sflag:s4] =	ssyncset.s32 $0xFFFFF086  }
0x25: {  	[simem:s6], [sflag:s4] =	dma.local [hbm:s3], $0xF7A  }
0x26: {  	[smem:$0x3F9C] =	sst s1;
	(tag) =	ssettag s2;
	_ =	strace s9  }
0x27: {  	s1 =	sld [smem:$0x3FAC]  }
0x28: {  	s2 =	sld [smem:$0x3FAD]  }
0x29: {  	s4 =	sld [smem:$0x3FAF]  }
0x2a: {  	p0 =	seq.s32 s5, $0x0;
	s5 =	sld [smem:$0x3FB0]  }
0x2b: {  	s6 =	sld [smem:$0x3FB1]  }
0x2c: {  	s7 =	sld [smem:$0x3FB2]  }
0x2d: {  	s3 =	simm.s32 $0x108;
	s8 =	sld [smem:$0x3FB3]  }
0x2e: {  	s3 =	simm.s32 @!p0 $0x1082;
	s9 =	sld [smem:$0x3FB4]  }
0x2f: {  	lr =	sadd.s32 s0, s3;
	s0 =	sld [smem:$0x3FAB]  }
0x30: {  	s3 =	sld [smem:$0x3FAE]  }
0x31: {  	[smem:$0x3FB7] =	sst s10  }
0x32: {  	s10 =	sld [smem:$0x3FB5];
	_ =	sdelay $0x3  }
0x33: {  	p0 =	seq.s32 s10, $0x1;
	s10 =	sld [smem:$0x3FB7];
	_ =	sdelay $0x3  }
0x34: {  	[smem:$0x3FB7] =	sst s10  }
0x35: {  	s10 =	sld [smem:$0x3FB6];
	_ =	sdelay $0x3  }
0x36: {  	p1 =	seq.s32 s10, $0x1;
	s10 =	sld [smem:$0x3FB7];
	_ =	sdelay $0x3  }
0x37: {  	[smem:$0x3FB7] =	sst s10  }
0x38: {  	s10 =	sld [smem:$0x3FB8]  }
0x39: {  	_ = 	snop;
	(pc) =	sbr.ind lr, $3  }
0x3a: {  	_ = 	snop  }
0x3b: {  	_ = 	snop  }
0x3c: {  	p2 =	seq.s32 s10, $0x1;
	s10 =	sld [smem:$0x3FB7]  }
0x3d: {  	_ =	shalt  }
0x3e: {  	_ =	shalt  }
0x3f: {  	_ =	shalt  }
0x40: {  	_ =	shalt  }
0x41: {  	_ =	shalt  }
0x42: {  	_ =	shalt  }
0x43: {  	_ =	shalt  }
0x44: {  	_ =	shalt  }
0x45: {  	_ =	shalt  }
0x46: {  	_ =	shalt  }
0x47: {  	_ =	shalt  }
0x48: {  	_ =	shalt  }
0x49: {  	_ =	shalt  }
0x4a: {  	_ =	shalt  }
0x4b: {  	_ =	shalt  }
0x4c: {  	_ =	shalt  }
0x4d: {  	_ =	shalt  }
0x4e: {  	_ =	shalt  }
0x4f: {  	_ =	shalt  }
0x50: {  	_ =	shalt  }
0x51: {  	_ =	shalt  }
0x52: {  	_ =	shalt  }
0x53: {  	_ =	shalt  }
0x54: {  	_ =	shalt  }
0x55: {  	_ =	shalt  }
0x56: {  	_ =	shalt  }
0x57: {  	_ =	shalt  }
0x58: {  	_ =	shalt  }
0x59: {  	_ =	shalt  }
0x5a: {  	_ =	shalt  }
0x5b: {  	_ =	shalt  }
0x5c: {  	_ =	shalt  }
0x5d: {  	_ =	shalt  }
0x5e: {  	_ =	shalt  }
0x5f: {  	_ =	shalt  }
0x60: {  	_ =	shalt  }
0x61: {  	_ =	shalt  }
0x62: {  	_ =	shalt  }
0x63: {  	_ =	shalt  }
0x64: {  	_ =	shalt  }
0x65: {  	_ =	shalt  }
0x66: {  	_ =	shalt  }
0x67: {  	_ =	shalt  }
0x68: {  	_ =	shalt  }
0x69: {  	_ =	shalt  }
0x6a: {  	_ =	shalt  }
0x6b: {  	_ =	shalt  }
0x6c: {  	_ =	shalt  }
0x6d: {  	_ =	shalt  }
0x6e: {  	_ =	shalt  }
0x6f: {  	_ =	shalt  }
0x70: {  	_ =	shalt  }
0x71: {  	_ =	shalt  }
0x72: {  	_ =	shalt  }
0x73: {  	_ =	shalt  }
0x74: {  	_ =	shalt  }
0x75: {  	_ =	shalt  }
0x76: {  	_ =	shalt  }
0x77: {  	_ =	shalt  }
0x78: {  	_ =	shalt  }
0x79: {  	_ =	shalt  }
0x7a: {  	_ =	shalt  }
0x7b: {  	_ =	shalt  }
0x7c: {  	_ =	shalt  }
0x7d: {  	_ =	shalt  }
0x7e: {  	_ =	shalt  }
0x7f: {  	_ =	shalt  }
0x80: {  	_ =	shalt  }
0x81: {  	_ =	shalt  }
0x82: {  	_ =	shalt  }
0x83: {  	_ =	shalt  }
0x84: {  	_ =	shalt  }
0x85: {  	_ =	shalt  }
0x86: {  	_ =	shalt  }
0x87: {  	_ =	shalt  }
.Lfunc_end0:
.L_simem_size_0:
called_computation_lowered:
.L_overlay_start_0:
0x88: {  	s2 =	sld [smem:$0x3FD9]  }
0x89: {  	s3 =	sld [smem:$0x3FFE];
	_ =	sdelay $0x1  }
0x8a: {  	s1 =	srdreg.scid  }
0x8b: {  	s0 =	sand.u32 $0x1, s1  }
0x8c: {  	s18 =	sshll.u32 s0, $0xA;
	s2 =	sadd.s32 s3, s2  }
0x8d: {  	s2 =	sadd.s32 s2, s18  }
0x8e: {  	[smem:$0x3FC3] =	sst s2  }
0x8f: {  	_ = 	snop  }
0x90: {  	s2 =	sld [smem:$0x3FC9]  }
0x91: {  	s19 =	sld [smem:$0x3FC8]  }
0x92: {  	s4 =	sld [smem:$0x3FC7]  }
0x93: {  	s5 =	sld [smem:$0x3FC6]  }
0x94: {  	s6 =	sld [smem:$0x3FC5]  }
0x95: {  	s7 =	sld [smem:$0x3FD0];
	(tm) =	ssettm $0x1  }
0x96: {  	s8 =	sld [smem:$0x3FFB];
	_ =	sdelay $0x3  }
0x97: {  	_ =	strace s8  }
0x98: {  	s8 =	sld [smem:$0x3FFC];
	_ =	sdelay $0x3  }
0x99: {  	_ =	strace s8  }
0x9a: {  	s8 =	sld [smem:$0x3FFD];
	_ =	sdelay $0x3  }
0x9b: {  	_ =	strace s8  }
0x9c: {  	_ =	strace $0x8FFFFFFF  }
0x9d: {  	s20 =	sld [smem:$0x3FDB];
	_ =	sdelay $0x1  }
0x9e: {  	s9 =	simm.s32 $_scs_section_size  }
0x9f: {  	s10 =	simm.s32 $_size__tile_overlayer_lowered;
	s11 =	simm.s32 $_tile_overlayer_lowered  }
0xa0: {  	s23 =	simm.s32 $0x1BFF;
	s22 =	sshll.u32 s11, $0x1;
	s8 =	sadd.s32 s9, s20  }
0xa1: {  	s12 =	simm.s32 $0x0;
	s21 =	sshll.u32 s10, $0x1;
	s10 =	sadd.s32 s22, s8  }
0xa2: {  	[timem:s12], [sflag:s23] =	dma.local [hbm:s10], s21  }
0xa3: {  	_ =	swait.ge [sflag:s23], s21  }
0xa4: {  	s9 =	ssub.s32 $0x0, s21;
	[sflag:s23] =	ssyncset.done $0x0  }
0xa5: {  	[sflag:s23] =	ssyncadd.s32 s9;
	_ =	sdelay $0x1  }
0xa6: {  	s24 =	simm.s32 $0x1B8B  }
0xa7: {  	_ =	swait.ge [sflag:s24], $0x1  }
0xa8: {  	[sflag:s24] =	ssyncset.done $0x0  }
0xa9: {  	s25 =	simm.s32 $0x1B8E;
	[sflag:s24] =	ssyncadd.s32 $0xFFFFFFFF  }
0xaa: {  	s26 =	simm.s32 $execute0_lowered;
	[smem:$0x3FD2] =	sst s25  }
0xab: {  	s9 =	sshll.u32 s26, $0x1;
	_ =	strace $0x80000046;
	[dreg:$0x1] =	wrdreg $0xFFFFFFFF  }
0xac: {  	s28 =	simm.s32 $_size_execute0_lowered;
	s8 =	sadd.s32 s8, s9;
	[dreg:$0x0] =	wrdreg $0x0  }
0xad: {  	s9 =	sshll.u32 s28, $0x1;
	[dreg:$0x2] =	wrdreg s8  }
0xae: {  	[dreg:$0x3] =	wrdreg s9  }
0xaf: {  	[dreg:$0x4] =	wrdreg $0xC0  }
0xb0: {  	_ =	task [dreg:s12], $0x5FFFF  }
0xb1: {  	[dreg:$0x1] =	wrdreg $0xFFFFFFFF  }
0xb2: {  	[dreg:$0x0] =	wrdreg $0x60  }
0xb3: {  	[dreg:$0x2] =	wrdreg s2  }
0xb4: {  	[dreg:$0x3] =	wrdreg s19  }
0xb5: {  	[dreg:$0x4] =	wrdreg s4  }
0xb6: {  	[dreg:$0x5] =	wrdreg s5  }
0xb7: {  	[dreg:$0x6] =	wrdreg s6  }
0xb8: {  	[dreg:$0x7] =	wrdreg s7  }
0xb9: {  	[dreg:$0x8] =	wrdreg $0x7E000  }
0xba: {  	[dreg:$0x9] =	wrdreg $0x9  }
0xbb: {  	_ =	task.clear_ibuf [dreg:s12], $0xAFFFF;
	_ =	strace $0x90000046  }
0xbc: {  	s29 =	simm.s32 $0x9;
	_ =	strace $0x80000048  }
0xbd: {  	_ =	swait.ge [sflag:s29], $0x1  }
0xbe: {  	[sflag:s29] =	ssyncadd.s32 $0xFFFFFFFF  }
0xbf: {  	_ =	strace $0x90000048  }
0xc0: {  	_ =	sfence  }
0xc1: {  	s30 =	sld [smem:$0x0];
	_ =	sdelay $0x2  }
0xc2: {  	s31 =	sshll.u32 s1, $0xD;
	s1 =	sshrl.u32 s1, $0x2  }
0xc3: {  	s3 =	sand.u32 $0x4000, s31;
	s1 =	sadd.s32 s1, s30  }
0xc4: {  	s0 =	sor.u32 s3, s0;
	s1 =	sshll.u32 s1, $0x11  }
0xc5: {  	s0 =	sor.u32 s1, s0  }
0xc6: {  	s0 =	sadd.s32 $0x8F2B, s0  }
0xc7: {  	[sflag:s0] =	ssyncadd.remote.s32 $0x1  }
0xc8: {  	_ =	sfence.sel $0xFFFF  }
0xc9: {  	[dreg:$0x0] =	wrdreg $0xFFFFFFFF;
	(pc) =	sbr.abs _section_cstart, $3  }
0xca: {  	[dreg:$0x1] =	wrdreg $0xFFFFFFFF  }
0xcb: {  	_ =	task.clear_ibuf [dreg:s12], $0x2FFFF;
	_ =	strace $0x9FFFFFFF  }
0xcc: {  	(tm) =	ssettm $0x7FFFFFFF  }
0xcd: {  	_ =	shalt  }
tec
execute0_lowered:
.L_overlay_start_1:
0x0: {  	(tag) =	ssettag $0x1  }
0x1: {  	s4 =	rddreg [dreg:$0x0]  }
0x2: {  	s5 =	rddreg [dreg:$0x1]  }
0x3: {  	s6 =	rddreg [dreg:$0x2]  }
0x4: {  	s7 =	rddreg [dreg:$0x3]  }
0x5: {  	s8 =	rddreg [dreg:$0x4]  }
0x6: {  	s11 =	rddreg [dreg:$0x5]  }
0x7: {  	s9 =	rddreg [dreg:$0x6];
	s2 =	simm.s32 $0x0  }
0x8: {  	s3 =	srdreg.scid;
	s0 =	stileid.u32;
	s16 =	simm.s32 $0x1400  }
0x9: {  	s17 =	simm.s32 $0x2800;
	s18 =	simm.s32 $0x3C00;
	s19 =	simm.s32 $0x5000  }
0xa: {  	s21 =	simm.s32 $0x7880;
	s22 =	simm.s32 $0x7900;
	s23 =	simm.s32 $0x0  }
0xb: {  	s3 =	sand.u32 $0x1, s3;
	s20 =	sand.u32 $0x3, s0;
	s10 =	sshll.u32 s0, $0x5  }
0xc: {  	[smem:$0x7FF] =	sst s2;
	s29 =	sshll.u32 s0, $0x4;
	s12 =	sshll.u32 s3, $0x9  }
0xd: {  	s13 =	sand.u32 $0x180, s10;
	s14 =	smul.u32 $0xA000, s20;
	s15 =	ssub.s32 $0x2, s3  }
0xe: {  	v1 =	vlaneseq.u32;
	s3 =	smul.u32 $0x1400, s20;
	_ =	strace $0x80000047;
	s10 =	sand.u32 $0x100, s10  }
0xf: {  	v2 =	vimm.s32 $0xF;
	v3 =	vimm.s32 $0x0;
	vm0 =	vmmov $0x1;
	s30 =	sand.u32 $0x70, s29;
	s31 =	sand.u32 $0x40, s29;
	p0 =	sne.s32 s20, $0x0  }
0x10: {  	vm1 =	vcmask $0x318;
	vm2 =	vcmask $0xB08;
	vm3 =	vcmask $0xF08;
	s20 =	simm.s32 $0x7800;
	s12 =	sor.u32 s12, s13;
	s28 =	sshrl.u32 s15, $0x1  }
0x11: {  	v4 =	vimm.s32 $0xFFFEDCBA;
	v5 =	vimm.s32 $0x98765432;
	vm4 =	vcmask $0x1308;
	s10 =	sadd.s32 s10, s9;
	s14 =	sor.u32 s14, s12;
	s13 =	ssub.s32 s15, s28  }
.Ltmp0:
0x12: {  	vm5 =	vcmask $0x308;
	v4 =	vunpack.c.l.s4.s8 v4;
	v5 =	vunpack.c.l.s4.s8 v5;
	s9 =	sadd.s32 s30, s10;
	s12 =	sshrl.u32 s12, $0x3;
	(pc) =	sbr.rel .LBB2_1-.Ltmp0, $4  }
0x13: {  	v6 =	vimm.s32 $0x3;
	v7 =	vimm.s32 $0x4;
	v8 =	vimm.s32 $0x5;
	s10 =	sadd.s32 s31, s10;
	s15 =	simm.s32 $0x1;
	s14 =	sshrl.u32 s14, $0x3  }
0x14: {  	vm2 =	vmor vm1, vm2;
	v9 =	vunpack.c.0.s8.s32 v4;
	v10 =	vunpack.c.0.s8.s32 v5;
	s11 =	sadd.s32 s11, s12;
	s12 =	smax.u32 s13, $0x1;
	s13 =	simm.s32 $0x80  }
0x15: {  	vm3 =	vmor vm1, vm3;
	vm4 =	vmor vm1, vm4;
	v4 =	vimm.s32 $0x1;
	s4 =	sadd.s32 s4, s14;
	s5 =	sadd.s32 s5, s14;
	s6 =	sadd.s32 s6, s14  }
0x16: {  	v5 =	vimm.s32 $0x2;
	v0 =	vmov s3;
	v9 =	vcombine.low v10, v9;
	s7 =	sadd.s32 s7, s14;
	s8 =	sadd.s32 s8, s14;
	s14 =	simm.s32 $0x400  }
.LBB2_8:
0x17: {  	[hbm4b:s11+s13] =	stream.strided.scatter [tilespmem:s22], [sflag:$0x1], $0x500, s14, s13, $0x38;
	[tilespmem:$0x7E20] =	vst v63  }
0x18: {  	_ =	swait.ge [sflag:s15], $0x500  }
0x19: {  	[sflag:s15] =	ssyncset.done $0x0  }
0x1a: {  	[sflag:s15] =	ssyncadd.s32 $0xFFFFFB00  }
.LBB2_9:
0x1b: {  	s23 =	sadd.s32 $0x1, s23  }
0x1c: {  	p1 =	sne.s32 s23, s12  }
.Ltmp1:
0x1d: {  	_ = 	snop;
	(pc) =	sbr.rel @!p1 .LBB2_10-.Ltmp1, $1  }
0x1e: {  	_ =	sdelay $0x3  }
.LBB2_1:
0x1f: {  	[tilespmem:s2], [sflag:$0x1] =	stream.strided.gather [hbm4b:s4+s13], $0x1400, s14, s13, $0x38;
	[tilespmem:$0x7E20] =	vst v63  }
0x20: {  	_ =	swait.ge [sflag:s15], $0x1400  }
0x21: {  	[sflag:s15] =	ssyncset.done $0x0  }
0x22: {  	[sflag:s15] =	ssyncadd.s32 $0xFFFFEC00  }
0x23: {  	[tilespmem:s16], [sflag:$0x1] =	stream.strided.gather [hbm4b:s5+s13], $0x1400, s14, s13, $0x38;
	[tilespmem:$0x7E20] =	vst v63  }
0x24: {  	_ =	swait.ge [sflag:s15], $0x1400  }
0x25: {  	[sflag:s15] =	ssyncset.done $0x0  }
0x26: {  	[sflag:s15] =	ssyncadd.s32 $0xFFFFEC00  }
0x27: {  	[tilespmem:s17], [sflag:$0x1] =	stream.strided.gather [hbm4b:s6+s13], $0x1400, s14, s13, $0x38;
	[tilespmem:$0x7E20] =	vst v63  }
0x28: {  	_ =	swait.ge [sflag:s15], $0x1400  }
0x29: {  	[sflag:s15] =	ssyncset.done $0x0  }
0x2a: {  	[sflag:s15] =	ssyncadd.s32 $0xFFFFEC00  }
0x2b: {  	[tilespmem:s18], [sflag:$0x1] =	stream.strided.gather [hbm4b:s7+s13], $0x1400, s14, s13, $0x38;
	[tilespmem:$0x7E20] =	vst v63  }
0x2c: {  	_ =	swait.ge [sflag:s15], $0x1400  }
0x2d: {  	[sflag:s15] =	ssyncset.done $0x0  }
0x2e: {  	[sflag:s15] =	ssyncadd.s32 $0xFFFFEC00  }
0x2f: {  	[tilespmem:s19], [sflag:$0x1] =	stream.strided.gather [hbm4b:s8+s13], $0x1400, s14, s13, $0x38;
	[tilespmem:$0x7E20] =	vst v63  }
0x30: {  	_ =	swait.ge [sflag:s15], $0x1400  }
0x31: {  	[sflag:s15] =	ssyncset.done $0x0  }
0x32: {  	s24 =	simm.s32 $0x0;
	[sflag:s15] =	ssyncadd.s32 $0xFFFFEC00  }
0x33: {  	v12 =	vld [tilespmem:s24+$0x3C00]  }
0x34: {  	v13 =	vld [tilespmem:s24+$0x1400]  }
0x35: {  	v14 =	vld [tilespmem:s24+$0x5000]  }
0x36: {  	v15 =	vld [tilespmem:s24+$0x2800];
	_ =	sdelay $0x1  }
0x37: {  	s25 =	simm.s32 $0x10  }
0x38: {  	v10 =	vld [tilespmem:s25+$0x3C00]  }
0x39: {  	v11 =	vld [tilespmem:s25+$0x1400]  }
0x3a: {  	v16 =	vsub.f32 v12, v13;
	v15 =	vsub.f32 v14, v15;
	v12 =	vld [tilespmem:s25+$0x5000]  }
0x3b: {  	v13 =	vld [tilespmem:s25+$0x2800]  }
0x3c: {  	s26 =	simm.s32 $0x80;
	v14 =	vmax.f32 v16, $0.0e+00;
	v15 =	vmax.f32 v15, $0.0e+00  }
.LBB2_2:
0x3d: {  	s28 =	sshra.s32 s26, $0x2;
	v14 =	vmul.f32 v15, v14;
	v15 =	vmov v10;
	p1 =	sne.s32 s26, $0x4FC0  }
.Ltmp2:
0x3e: {  	v10 =	vld [tilespmem:s28+$0x3C00];
	v16 =	vmov v11;
	(pc) =	sbr.rel @p1 .LBB2_2-.Ltmp2, $4  }
0x3f: {  	v11 =	vld [tilespmem:s28+$0x1400];
	[tilespmem:s24+$0x6400] =	vst v14;
	s24 =	smov.u32 s25;
	s25 =	smov.u32 s28  }
0x40: {  	s26 =	sadd.s32 $0x40, s26;
	v14 =	vsub.f32 v15, v16;
	v15 =	vsub.f32 v12, v13;
	v12 =	vld [tilespmem:s25+$0x5000]  }
0x41: {  	v13 =	vld [tilespmem:s25+$0x2800]  }
0x42: {  	v14 =	vmax.f32 v14, $0.0e+00;
	v15 =	vmax.f32 v15, $0.0e+00  }
0x43: {  	_ =	sdelay $0x2  }
0x44: {  	v10 =	vsub.f32 v10, v11;
	v11 =	vsub.f32 v12, v13  }
.Ltmp3:
0x45: {  	_ = 	snop;
	(pc) =	sbr.rel .LBB2_4-.Ltmp3, $4  }
0x46: {  	v12 =	vmul.f32 v15, v14;
	v10 =	vmax.f32 v10, $0.0e+00;
	v11 =	vmax.f32 v11, $0.0e+00  }
0x47: {  	v11 =	vmul.f32 v11, v10  }
0x48: {  	v16 =	vimm.f32 $0.0e+00;
	v13 =	vimm.f32 $0.0e+00;
	[tilespmem:s24+$0x6400] =	vst v12  }
0x49: {  	v14 =	vimm.f32 $0.0e+00;
	v15 =	vimm.f32 $0.0e+00;
	s24 =	simm.s32 $0x0;
	v10 =	vimm.s32 $0xFFFFFFFF;
	[tilespmem:s25+$0x6400] =	vst v11  }
.LBB2_7:
0x4a: {  	s0 =	sshll.u32 s24, $0x2;
	s24 =	sadd.s32 $0x1, s24  }
0x4b: {  	v12 =	vperm.xlane v11, v3;
	v17 =	vadd.s32 s0, v1;
	p1 =	seq.s32 s24, $0x12C  }
.Ltmp4:
0x4c: {  	_ = 	snop;
	(pc) =	sbr.rel @p1 .LBB2_8-.Ltmp4, $4  }
0x4d: {  	v11 =	vperm.xlane v11, v9;
	vm6 =	vlt.f32 v12, $-Inf;
	vm7 =	vgt.f32 v12, $-Inf  }
0x4e: {  	vm6 =	vmor vm7, vm6  }
0x4f: {  	v11 =	vnsel vm6, $0xBF800000, v11  }
0x50: {  	[tilespmem:v17+s22+$0x0] =	vst.idx.msk $0xf, v11  }
.LBB2_4:
0x51: {  	s25 =	simm.s32 $0x0  }
0x52: {  	v21 =	vld [tilespmem:s25+$0x6430]  }
0x53: {  	v22 =	vld [tilespmem:s25+$0x6420]  }
0x54: {  	v24 =	vld [tilespmem:s25+$0x1430]  }
0x55: {  	v25 =	vld [tilespmem:s25+$0x2830]  }
0x56: {  	v26 =	vld [tilespmem:s25+$0x3C30]  }
0x57: {  	v27 =	vld [tilespmem:s25+$0x5030]  }
0x58: {  	v28 =	vld [tilespmem:s25+$0x6400]  }
0x59: {  	v29 =	vld [tilespmem:s25+$0x1420]  }
0x5a: {  	v30 =	vld [tilespmem:s25+$0x2820]  }
0x5b: {  	v31 =	vld [tilespmem:s25+$0x3C20]  }
0x5c: {  	v32 =	vld [tilespmem:s25+$0x5020]  }
0x5d: {  	v11 =	vsub.f32 v14, v16;
	v12 =	vsub.f32 v13, v15;
	v33 =	vld [tilespmem:s25+$0x1410]  }
0x5e: {  	v34 =	vld [tilespmem:s25+$0x2810]  }
0x5f: {  	v35 =	vld [tilespmem:s25+$0x3C10];
	v11 =	vmax.f32 v11, $0.0e+00;
	v12 =	vmax.f32 v12, $0.0e+00  }
0x60: {  	v20 =	vimm.f32 $-Inf;
	v17 =	vor.u32 s3, v1;
	s26 =	sadd.s32 $0x20, s3;
	s29 =	sadd.s32 $0x10, s3;
	v36 =	vld [tilespmem:s25+$0x5010];
	v19 =	vmul.f32 v12, v11  }
0x61: {  	s28 =	sadd.s32 $0x30, s3;
	v18 =	vor.u32 s29, v1;
	v37 =	vld [tilespmem:s25+$0x1400];
	vm6 =	veq.s32 v17, v10;
	v12 =	vor.u32 s26, v1  }
0x62: {  	v11 =	vor.u32 s28, v1;
	v22 =	vadd.f32 v22, v19;
	v23 =	vadd.f32 v21, v19;
	v21 =	vld [tilespmem:s25+$0x2800]  }
0x63: {  	v38 =	vmax.f32 v16, v24;
	v24 =	vadd.f32 v28, v19;
	v28 =	vmax.f32 v16, v29;
	v29 =	vld [tilespmem:s25+$0x5000]  }
0x64: {  	v39 =	vld [tilespmem:s25+$0x3C00];
	v25 =	vmax.f32 v15, v25;
	v26 =	vmin.f32 v14, v26;
	v27 =	vmin.f32 v13, v27  }
0x65: {  	v30 =	vmax.f32 v15, v30;
	v31 =	vmin.f32 v14, v31;
	v32 =	vmin.f32 v13, v32  }
0x66: {  	v33 =	vmax.f32 v16, v33;
	v34 =	vmax.f32 v15, v34;
	v35 =	vmin.f32 v14, v35  }
0x67: {  	v37 =	vmax.f32 v16, v37;
	v36 =	vmin.f32 v13, v36;
	v26 =	vsub.f32 v26, v38  }
0x68: {  	v31 =	vsub.f32 v31, v28;
	v21 =	vmax.f32 v15, v21;
	v29 =	vmin.f32 v13, v29  }
0x69: {  	v25 =	vsub.f32 v27, v25;
	v27 =	vmin.f32 v14, v39;
	v21 =	vsub.f32 v29, v21  }
0x6a: {  	v28 =	vsub.f32 v35, v33;
	v30 =	vsub.f32 v32, v30;
	v63 =	vmax.f32 v26, $0.0e+00;
	v26 =	vld [tilespmem:s25+$0x6410]  }
0x6b: {  	v62 =	vsub.f32 v27, v37;
	v27 =	vsub.f32 v36, v34;
	v25 =	vmax.f32 v25, $0.0e+00  }
0x6c: {  	v28 =	vmax.f32 v28, $0.0e+00;
	v30 =	vmax.f32 v30, $0.0e+00;
	v25 =	vmul.f32 v25, v63  }
0x6d: {  	s29 =	smov.u32 s3;
	s26 =	simm.s32 $0x0;
	s28 =	simm.s32 $0x100;
	v29 =	vmax.f32 v31, $0.0e+00;
	v31 =	vmax.f32 v62, $0.0e+00;
	v32 =	vmax.f32 v21, $0.0e+00;
	v21 =	vmovc v0  }
.LBB2_5:
0x6e: {  	s30 =	sshra.s32 s28, $0x2;
	v31 =	vmul.f32 v32, v31;
	v27 =	vmax.f32 v27, $0.0e+00;
	v29 =	vmul.f32 v30, v29  }
0x6f: {  	v30 =	vld [tilespmem:s30+$0x6430];
	v27 =	vmul.f32 v27, v28;
	v26 =	vadd.f32 v26, v19;
	v23 =	vsub.f32 v23, v25  }
0x70: {  	vm7 =	veq.s32 v11, v10;
	v28 =	vld [tilespmem:s30+$0x6420];
	v24 =	vsub.f32 v24, v31;
	v22 =	vsub.f32 v22, v29  }
0x71: {  	vm10 =	veq.s32 v18, v10;
	vm8 =	veq.s32 v12, v10;
	v32 =	vld [tilespmem:s30+$0x1430];
	v26 =	vsub.f32 v26, v27  }
0x72: {  	vm9 =	vgt.f32 v23, $0.0e+00;
	v33 =	vld [tilespmem:s30+$0x2830];
	v34 =	vmul.f32 $5.000000000e-01, v24;
	vm11 =	vgt.f32 v22, $0.0e+00  }
0x73: {  	v36 =	vmul.f32 $5.000000000e-01, v23;
	v23 =	vmul.f32 $1.490116120e-08, v23;
	v35 =	vld [tilespmem:s30+$0x3C30];
	vm12 =	vgt.f32 v26, $0.0e+00  }
0x74: {  	v38 =	vmul.f32 $5.000000000e-01, v26;
	v37 =	vld [tilespmem:s25+$0x0];
	v31 =	vsub.f32 v31, v34;
	v34 =	vmul.f32 $1.490116120e-08, v24  }
0x75: {  	vm13 =	vgt.f32 v24, $0.0e+00;
	v24 =	vmul.f32 $1.490116120e-08, v26;
	v26 =	vmul.f32 $5.000000000e-01, v22;
	v39 =	vld [tilespmem:s30+$0x5030]  }
0x76: {  	v25 =	vsub.f32 v25, v36;
	v27 =	vsub.f32 v27, v38;
	vm14 =	vgt.f32 v31, v34;
	v31 =	vld [tilespmem:s25+$0x10]  }
0x77: {  	v22 =	vmul.f32 $1.490116120e-08, v22;
	v26 =	vsub.f32 v29, v26;
	v34 =	vld [tilespmem:s30+$0x6400];
	vm13 =	vmand vm13, vm14  }
0x78: {  	vm14 =	vgt.f32 v25, v23;
	vm6 =	vmor vm6, vm13;
	vm13 =	vgt.f32 v27, v24;
	v24 =	vld [tilespmem:s25+$0x20]  }
0x79: {  	v25 =	vld [tilespmem:s30+$0x1420];
	v23 =	vsel vm6, $0xFF800000, v37;
	vm6 =	vmand vm12, vm13;
	vm12 =	vgt.f32 v26, v22  }
0x7a: {  	[tilespmem:s25+$0x0] =	vst v23;
	vm13 =	vgt.f32 v23, v20;
	vm6 =	vmor vm10, vm6;
	vm10 =	vmand vm11, vm12;
	v22 =	vld [tilespmem:s25+$0x30]  }
0x7b: {  	v26 =	vld [tilespmem:s30+$0x2820];
	v20 =	vsel vm13, v23, v20;
	v17 =	vsel vm13, v17, v21;
	v21 =	vsel vm6, $0xFF800000, v31  }
0x7c: {  	vm9 =	vmand vm9, vm14;
	vm8 =	vmor vm8, vm10;
	v27 =	vld [tilespmem:s30+$0x3C20];
	[tilespmem:s25+$0x10] =	vst v21;
	vm6 =	vgt.f32 v21, v20  }
0x7d: {  	s29 =	sadd.s32 $0x40, s29;
	v29 =	vld [tilespmem:s30+$0x5020];
	v20 =	vsel vm6, v21, v20;
	v18 =	vsel vm6, v18, v17;
	v21 =	vsel vm8, $0xFF800000, v24  }
0x7e: {  	vm7 =	vmor vm7, vm9;
	v17 =	vor.u32 s29, v1;
	v31 =	vld [tilespmem:s30+$0x1410];
	[tilespmem:s25+$0x20] =	vst v21;
	vm6 =	vgt.f32 v21, v20  }
0x7f: {  	s31 =	sadd.s32 $0x20, s29;
	s0 =	sadd.s32 $0x30, s29;
	v36 =	vld [tilespmem:s30+$0x2810];
	v20 =	vsel vm6, v21, v20;
	v21 =	vsel vm6, v12, v18;
	v22 =	vsel vm7, $0xFF800000, v22  }
0x80: {  	s1 =	sadd.s32 $0x10, s29;
	v23 =	vor.u32 s0, v1;
	v12 =	vor.u32 s31, v1;
	v37 =	vld [tilespmem:s30+$0x3C10];
	[tilespmem:s25+$0x30] =	vst v22;
	vm6 =	vgt.f32 v22, v20;
	s25 =	smov.u32 s30  }
0x81: {  	v18 =	vor.u32 s1, v1;
	v38 =	vld [tilespmem:s25+$0x5010];
	v20 =	vsel vm6, v22, v20;
	v21 =	vsel vm6, v11, v21;
	v11 =	vmovc v23  }
0x82: {  	vm6 =	veq.s32 v17, v10;
	v22 =	vadd.f32 v28, v19;
	v23 =	vadd.f32 v30, v19;
	v40 =	vld [tilespmem:s25+$0x1400]  }
0x83: {  	v30 =	vmax.f32 v16, v32;
	v32 =	vmax.f32 v15, v33;
	v33 =	vmin.f32 v14, v35;
	v28 =	vld [tilespmem:s25+$0x2800]  }
0x84: {  	s26 =	sadd.s32 $0x4, s26;
	v24 =	vadd.f32 v34, v19;
	v34 =	vmin.f32 v13, v39;
	v25 =	vmax.f32 v16, v25;
	v35 =	vld [tilespmem:s25+$0x3C00]  }
0x85: {  	p1 =	slt.u32 s26, $0x13C;
	v26 =	vmax.f32 v15, v26;
	v27 =	vmin.f32 v14, v27;
	v29 =	vmin.f32 v13, v29;
	v39 =	vld [tilespmem:s25+$0x5000]  }
0x86: {  	v31 =	vmax.f32 v16, v31;
	v36 =	vmax.f32 v15, v36;
	v37 =	vmin.f32 v14, v37  }
0x87: {  	v30 =	vsub.f32 v33, v30;
	v38 =	vmin.f32 v13, v38;
	v40 =	vmax.f32 v16, v40  }
0x88: {  	v25 =	vsub.f32 v27, v25;
	v32 =	vsub.f32 v34, v32;
	v28 =	vmax.f32 v15, v28  }
.Ltmp5:
0x89: {  	v33 =	vsub.f32 v29, v26;
	v31 =	vsub.f32 v37, v31;
	v27 =	vmin.f32 v14, v35;
	(pc) =	sbr.rel @p1 .LBB2_5-.Ltmp5, $4  }
0x8a: {  	v29 =	vmin.f32 v13, v39;
	v34 =	vsub.f32 v27, v40;
	v26 =	vld [tilespmem:s25+$0x6410];
	v27 =	vsub.f32 v38, v36  }
0x8b: {  	v37 =	vmax.f32 v32, $0.0e+00;
	v36 =	vmax.f32 v30, $0.0e+00;
	v35 =	vsub.f32 v29, v28  }
0x8c: {  	v30 =	vmax.f32 v33, $0.0e+00;
	v28 =	vmax.f32 v31, $0.0e+00;
	v29 =	vmax.f32 v25, $0.0e+00  }
0x8d: {  	s28 =	sadd.s32 $0x100, s28;
	v25 =	vmul.f32 v37, v36;
	v31 =	vmax.f32 v34, $0.0e+00;
	v32 =	vmax.f32 v35, $0.0e+00  }
0x8e: {  	v13 =	vmul.f32 v32, v31  }
0x8f: {  	v14 =	vmax.f32 v27, $0.0e+00;
	v15 =	vmul.f32 v30, v29;
	v19 =	vadd.f32 v26, v19  }
0x90: {  	v14 =	vmul.f32 v14, v28;
	v23 =	vsub.f32 v23, v25;
	v16 =	vsub.f32 v24, v13  }
0x91: {  	vm7 =	veq.s32 v11, v10;
	vm9 =	veq.s32 v18, v10;
	v22 =	vsub.f32 v22, v15  }
0x92: {  	vm8 =	veq.s32 v12, v10;
	v19 =	vsub.f32 v19, v14;
	v24 =	vmul.f32 $5.000000000e-01, v16  }
0x93: {  	vm11 =	vgt.f32 v23, $0.0e+00;
	v62 =	vmul.f32 $5.000000000e-01, v23;
	vm10 =	vgt.f32 v22, $0.0e+00  }
0x94: {  	v10 =	vld [tilespmem:s25+$0x0];
	v60 =	vmul.f32 $1.490116120e-08, v16;
	v61 =	vmul.f32 $5.000000000e-01, v19;
	v13 =	vsub.f32 v13, v24  }
0x95: {  	vm13 =	vgt.f32 v16, $0.0e+00;
	v16 =	vmul.f32 $5.000000000e-01, v22;
	vm12 =	vgt.f32 v19, $0.0e+00  }
0x96: {  	v14 =	vsub.f32 v14, v61;
	vm14 =	vgt.f32 v13, v60;
	v13 =	vmul.f32 $1.490116120e-08, v19;
	v19 =	vld [tilespmem:s25+$0x10]  }
0x97: {  	v63 =	vsub.f32 v25, v62;
	v15 =	vsub.f32 v15, v16;
	vm13 =	vmand vm13, vm14  }
0x98: {  	v16 =	vmul.f32 $1.490116120e-08, v22;
	vm6 =	vmor vm6, vm13;
	vm13 =	vgt.f32 v14, v13;
	v13 =	vld [tilespmem:s25+$0x20]  }
0x99: {  	v14 =	vmul.f32 $1.490116120e-08, v23;
	v10 =	vsel vm6, $0xFF800000, v10;
	vm6 =	vmand vm12, vm13  }
0x9a: {  	vm12 =	vgt.f32 v15, v16;
	v15 =	vld [tilespmem:s25+$0x30];
	vm13 =	vgt.f32 v10, v20;
	vm6 =	vmor vm9, vm6  }
0x9b: {  	[tilespmem:s25+$0x0] =	vst v10;
	vm12 =	vmand vm10, vm12;
	v10 =	vsel vm13, v10, v20;
	v16 =	vsel vm6, $0xFF800000, v19  }
0x9c: {  	vm6 =	vgt.f32 v63, v14;
	vm8 =	vmor vm8, vm12;
	vm14 =	vgt.f32 v16, v10  }
0x9d: {  	vm6 =	vmand vm11, vm6;
	v10 =	vsel vm14, v16, v10;
	v13 =	vsel vm8, $0xFF800000, v13  }
0x9e: {  	vm6 =	vmor vm7, vm6;
	vm8 =	vgt.f32 v13, v10  }
0x9f: {  	v14 =	vsel vm6, $0xFF800000, v15;
	v10 =	vsel vm8, v13, v10  }
0xa0: {  	vm6 =	vgt.f32 v14, v10  }
0xa1: {  	v10 =	vsel vm6, v14, v10  }
0xa2: {  	(xrf0) =	vmax.scan.msk.f32 $0xffff, v10;
	_ =	sdelay $0x4  }
0xa3: {  	v15 =	vsel vm13, v17, v21  }
0xa4: {  	v15 =	vsel vm14, v18, v15;
	v17, _, _ =	vpop (xrf0)  }
0xa5: {  	v12 =	vsel vm8, v12, v15;
	v15 =	vperm.xlane v17, v2  }
0xa6: {  	v11 =	vsel vm6, v11, v12  }
0xa7: {  	vm6 =	veq.f32 v10, v15;
	v10 =	vsub.s32 $0x80000000, v11  }
0xa8: {  	v10 =	vnsel vm6, $0x40000000, v10  }
0xa9: {  	(xrf0) =	vmax.scan.msk.u32 $0xffff, v10;
	_ =	sdelay $0x5  }
0xaa: {  	v10, _, _ =	vpop (xrf0)  }
0xab: {  	v10 =	vxor.u32 $0x80000000, v10  }
0xac: {  	v10 =	vperm.xlane v10, v2;
	_ =	sdelay $0x1  }
0xad: {  	v10 =	vsub.s32 $0x0, v10  }
0xae: {  	v11 =	vsub.s32 v10, v0  }
0xaf: {  	v12 =	vand.u32 $0x7F, v10;
	v11 =	vand.u32 $0xFFFFFF80, v11  }
0xb0: {  	v11 =	vor.u32 v12, v11;
	_ =	sdelay $0x1  }
0xb1: {  	[tilespmem:s25+$0x10] =	vst v16  }
0xb2: {  	[tilespmem:s25+$0x20] =	vst v13  }
0xb3: {  	[tilespmem:s25+$0x30] =	vst v14  }
0xb4: {  	v12 =	vld.idx.msk [tilespmem:v11+s16+$0x0], $0xffff  }
0xb5: {  	v13 =	vld.idx.msk [tilespmem:v11+s17+$0x0], $0xffff  }
0xb6: {  	v14 =	vld.idx.msk [tilespmem:v11+s18+$0x0], $0xffff  }
0xb7: {  	v11 =	vld.idx.msk [tilespmem:v11+s19+$0x0], $0xffff  }
0xb8: {  	v15 =	vsel vm0, v15, v10  }
0xb9: {  	v12 =	vsel vm1, v15, v12  }
0xba: {  	v12 =	vsel vm2, v12, v13  }
0xbb: {  	v12 =	vsel vm3, v12, v14  }
0xbc: {  	v11 =	vsel vm4, v12, v11  }
0xbd: {  	v10 =	vsel vm5, v11, v10  }
0xbe: {  	[tilespmem:$0x7800] =	vst v10  }
0xbf: {  	[spmem:s9] =	stream.linear.scatter [tilespmem:s20], [sflag:$0x1], $0x10, $0x38;
	[tilespmem:$0x7E20] =	vst v63  }
0xc0: {  	_ =	swait.ge [sflag:s15], $0x10  }
0xc1: {  	[sflag:s15] =	ssyncset.done $0x0  }
0xc2: {  	[sflag:s15] =	ssyncadd.s32 $0xFFFFFFF0  }
0xc3: {  	[bflag:$0x0] =	sbarrier.arrive $0xFFFF  }
0xc4: {  	[tilespmem:s21], [sflag:$0x1] =	stream.linear.gather [spmem:s10], $0x40, $0x38;
	[tilespmem:$0x7E20] =	vst v63  }
0xc5: {  	_ =	swait.ge [sflag:s15], $0x40  }
0xc6: {  	[sflag:s15] =	ssyncset.done $0x0  }
0xc7: {  	[sflag:s15] =	ssyncadd.s32 $0xFFFFFFC0  }
0xc8: {  	[bflag:$0x0] =	sbarrier.arrive $0xFFFF  }
0xc9: {  	v10 =	vld [tilespmem:$0x7880]  }
0xca: {  	v11 =	vld [tilespmem:$0x7890];
	_ =	sdelay $0x3  }
0xcb: {  	v14 =	vld [tilespmem:$0x78A0];
	v12 =	vperm.xlane v10, v3;
	v13 =	vperm.xlane v10, v4  }
0xcc: {  	v15 =	vperm.xlane v11, v3;
	v16 =	vperm.xlane v11, v4;
	_ =	sdelay $0x1  }
0xcd: {  	vm6 =	veq.f32 v15, v12;
	vm7 =	vlt.s32 v16, v13  }
0xce: {  	v17 =	vld [tilespmem:$0x78B0];
	vm15 =	vgt.f32 v15, v12;
	vm6 =	vmand vm6, vm7  }
0xcf: {  	v18 =	vperm.xlane v14, v3;
	v19 =	vperm.xlane v14, v4;
	vm6 =	vmor vm15, vm6  }
0xd0: {  	v12 =	vsel vm6, v15, v12;
	v13 =	vsel vm6, v16, v13  }
0xd1: {  	vm7 =	veq.f32 v18, v12;
	vm12 =	vlt.s32 v19, v13  }
0xd2: {  	vm13 =	vgt.f32 v18, v12;
	vm7 =	vmand vm12, vm7  }
0xd3: {  	v15 =	vperm.xlane v17, v3;
	v16 =	vperm.xlane v17, v4;
	vm7 =	vmor vm13, vm7  }
0xd4: {  	v12 =	vsel vm7, v18, v12;
	v13 =	vsel vm7, v19, v13  }
0xd5: {  	vm14 =	veq.f32 v15, v12;
	vm15 =	vlt.s32 v16, v13  }
0xd6: {  	v10 =	vsel vm6, v11, v10;
	vm6 =	vgt.f32 v15, v12;
	vm8 =	vmand vm15, vm14  }
.Ltmp6:
0xd7: {  	v10 =	vsel vm7, v14, v10;
	vm6 =	vmor vm6, vm8;
	(pc) =	sbr.rel @!p0 .LBB2_7-.Ltmp6, $4  }
0xd8: {  	v11 =	vsel vm6, v17, v10  }
0xd9: {  	v10 =	vperm.xlane v11, v4  }
0xda: {  	v16 =	vperm.xlane v11, v5;
	v15 =	vperm.xlane v11, v6  }
0xdb: {  	v14 =	vperm.xlane v11, v7;
	v13 =	vperm.xlane v11, v8  }
0xdc: {  	s24 =	sadd.s32 $0x1, s24  }
0xdd: {  	p1 =	seq.s32 s24, $0x12C  }
.Ltmp7:
0xde: {  	_ = 	snop;
	(pc) =	sbr.rel @!p1 .LBB2_4-.Ltmp7, $4  }
.Ltmp8:
0xdf: {  	_ = 	snop;
	(pc) =	sbr.rel @p1 .LBB2_9-.Ltmp8, $4  }
0xe0: {  	_ = 	snop  }
0xe1: {  	_ = 	snop  }
0xe2: {  	_ = 	snop  }
0xe3: {  	_ = 	snop  }
.LBB2_10:
0xe4: {  	_ =	sfence.sel $0x180000  }
0xe5: {  	[bflag:$0x0] =	sbarrier.arrive $0xFFFF  }
0xe6: {  	_ =	strace $0x90000047  }
0xe7: {  	s0 =	stileid.u32;
	[bflag:$0x2] =	sbarrier.arrive $0xFFFF  }
0xe8: {  	p0 =	sne.s32 s0, $0x0;
	s0 =	rddreg [dreg:$0x7]  }
0xe9: {  	s0 =	sadd.s32 @!p0 $0x100000, s0  }
0xea: {  	[sflag:s0] =	ssyncadd.tile.s32 @!p0 $0x1;
	_ =	shalt  }
.Lfunc_end2:
_tile_overlayer_lowered:
.L_overlay_start_2:
0xeb: {  	(tag) =	ssettag $0x2  }
0xec: {  	s0 =	rddreg [dreg:$0x0];
	s2 =	stileid.u32  }
0xed: {  	s1 =	rddreg [dreg:$0x1];
	p0 =	sne.s32 s2, $0x0  }
0xee: {  	s3 =	rddreg [dreg:$0x2];
	[bflag:$0x3] =	sbarrier.arrive $0xFFFF;
	s2 =	simm.s32 @!p0 $0x1C01  }
0xef: {  	[timem:s3], [sflag:s2] =	dma.local @!p0 [hbm:s0], s1  }
0xf0: {  	s0 =	simm.s32 @!p0 $0x1  }
0xf1: {  	_ =	swait.ge @!p0 [sflag:s0], s1  }
0xf2: {  	s1 =	ssub.s32 @!p0 $0x0, s1;
	[sflag:s0] =	ssyncset.done @!p0 $0x0  }
0xf3: {  	[sflag:s0] =	ssyncadd.s32 @!p0 s1  }
0xf4: {  	[bflag:$0x3] =	sbarrier.arrive $0xFFFF  }
0xf5: {  	_ =	shalt  }

</sc_bundles>
